<compile_context>
chip_gen: v7x
topology: tpu7x:2x2x1
jax: 0.10.2.dev20260603
libtpu: 0.0.44.dev20260713+nightly
codegen_flags: <defaults>
</compile_context>

<pallas_src>
import functools

import jax
import jax.numpy as jnp
from jax import lax
from jax.experimental import pallas as pl
from jax.experimental.pallas import tpu as pltpu
from jax.experimental.pallas import tpu_sc as plsc

VOCAB = 100000
MAX_LEN = 200
DEPTH = 64
BATCH = 4096
SEQ_LEN = 200

NC, NS, L = 2, 16, 16
NW = NC * NS
TOTAL = BATCH * SEQ_LEN
GU = 100
GPC = 8
CHUNK = GU * GPC
ROWS_PER_CHUNK = CHUNK // SEQ_LEN
N_CHUNKS_PER_W = TOTAL // (NW * CHUNK)
GU_PER_W = N_CHUNKS_PER_W * GPC
DL = DEPTH // L


@functools.partial(
    pl.kernel,
    mesh=plsc.VectorSubcoreMesh(core_axis_name="c", subcore_axis_name="s"),
    out_type=jax.ShapeDtypeStruct((TOTAL, DEPTH), jnp.float32),
    scratch_types=[
        pltpu.VMEM((SEQ_LEN, DEPTH), jnp.float32),
        pltpu.VMEM((GPC, GU), jnp.int32),
        pltpu.VMEM((CHUNK, DEPTH), jnp.float32),
        pltpu.SemaphoreType.DMA,
    ],
    compiler_params=pltpu.CompilerParams(use_tc_tiling_on_sc=False),
)
def _emb(tok_hbm, seq_hbm, pos_hbm, out_hbm, pos_v, idx_v, rows_v, sem):
    wid = lax.axis_index("s") * NC + lax.axis_index("c")
    pltpu.sync_copy(pos_hbm, pos_v)

    def chunk_body(ci, carry):
        g0 = wid * GU_PER_W + ci * GPC
        pltpu.sync_copy(seq_hbm.at[pl.ds(g0, GPC)], idx_v)
        copies = [
            pltpu.async_copy(
                tok_hbm.at[idx_v.at[j]],
                rows_v.at[pl.ds(j * GU, GU)],
                sem,
            )
            for j in range(GPC)
        ]
        for c in copies:
            c.wait()

        def add_body(p, c2):
            pv = [pos_v[p, pl.ds(j * L, L)] for j in range(DL)]
            for r in range(ROWS_PER_CHUNK):
                row = r * SEQ_LEN + p
                for j in range(DL):
                    rows_v[row, pl.ds(j * L, L)] = (
                        rows_v[row, pl.ds(j * L, L)] + pv[j]
                    )
            return c2

        lax.fori_loop(0, SEQ_LEN, add_body, 0)
        flat0 = (wid * N_CHUNKS_PER_W + ci) * CHUNK
        pltpu.sync_copy(rows_v, out_hbm.at[pl.ds(flat0, CHUNK)])
        return carry

    lax.fori_loop(0, N_CHUNKS_PER_W, chunk_body, 0)


def kernel(seq, token_table, pos_table):
    seq_flat = seq.reshape(-1).astype(jnp.int32).reshape(TOTAL // GU, GU)
    pos = pos_table[:SEQ_LEN].astype(jnp.float32)
    out = _emb(token_table.astype(jnp.float32), seq_flat, pos)
    return out.reshape(BATCH, SEQ_LEN, DEPTH)

# --- scband reference (transcript-rebuilt; emitter-appended) ---
"""Pipeline reference for scband-seq-embedding-75831942578226 (READ-ONLY COPY).

The authoritative reference and input builder live on the scoring server;
editing this copy changes nothing except your own understanding.
"""

import jax, jax.numpy as jnp
import numpy as np

VOCAB = 100000
MAX_LEN = 200
DEPTH = 64
BATCH = 4096
SEQ_LEN = 200


def setup_inputs(seed: int = 0) -> dict:
    key = jax.random.key(seed)
    k1, k2, k3 = jax.random.split(key, 3)
    seq = jax.random.randint(k1, (BATCH, SEQ_LEN), 0, VOCAB, dtype=jnp.int64 if jax.config.jax_enable_x64 else jnp.int32)
    token_table = jax.random.normal(k2, (VOCAB, DEPTH), dtype=jnp.float32) * 0.05
    pos_table = jax.random.normal(k3, (MAX_LEN, DEPTH), dtype=jnp.float32) * 0.05
    return {"seq": seq, "token_table": token_table, "pos_table": pos_table}


def reference(seq, token_table, pos_table):
    # token embedding lookup: [B, S, D]
    tok = jnp.take(token_table, seq, axis=0)
    # positional embedding: arange over seq dim, lookup, broadcast over batch
    pos_idx = jnp.arange(tok.shape[-2])
    pos = jnp.take(pos_table, pos_idx, axis=0)[None, :, :]
    return tok + pos

if __name__ == "__main__":
    import jax
    _d = setup_inputs()
    print(jax.jit(kernel)(*tuple(_d.values())))

</pallas_src>

<mosaic_0001>
#map = affine_map<(d0, d1) -> (0, 0)>
module attributes {stable_mosaic.version = 14 : i64} {
  func.func @_emb(%arg0: i32, %arg1: i32, %arg2: memref<100000x64xf32, #tpu.memory_space<hbm>>, %arg3: memref<8192x100xi32, #tpu.memory_space<hbm>>, %arg4: memref<200x64xf32, #tpu.memory_space<hbm>>, %arg5: memref<819200x64xf32, #tpu.memory_space<hbm>>, %arg6: memref<200x64xf32, #tpu.memory_space<vmem>>, %arg7: memref<8x100xi32, #tpu.memory_space<vmem>>, %arg8: memref<800x64xf32, #tpu.memory_space<vmem>>, %arg9: memref<!tpu.dma_semaphore, #tpu.memory_space<semaphore_mem>>) attributes {dimension_semantics = [#tpu.dimension_semantics<core_parallel>, #tpu.dimension_semantics<subcore_parallel>], iteration_bounds = array<i64: 2, 16>, scalar_prefetch = 0 : i64, scratch_operands = 4 : i64, tpu.core_type = #tpu.core_type<sc_vector_subcore>, window_params = [{transform_indices = #map}, {transform_indices = #map}, {transform_indices = #map}, {transform_indices = #map}]} {
    %mul3A = arith.constant 2 : i32
    %mul3A_0 = arith.muli %arg1, %mul3A : i32
    %add3A = arith.addi %mul3A_0, %arg0 : i32
    "tpu.region"() ({
      %run_scoped3A = tpu.sem_alloc : memref<!tpu.dma_semaphore, #tpu.memory_space<semaphore_mem>>
      tpu.enqueue_dma source(%arg4 : memref<200x64xf32, #tpu.memory_space<hbm>>) target(%arg6 : memref<200x64xf32, #tpu.memory_space<vmem>>) target_semaphore(%run_scoped3A : memref<!tpu.dma_semaphore, #tpu.memory_space<semaphore_mem>>)
      tpu.wait_dma2 semaphore(%run_scoped3A : memref<!tpu.dma_semaphore, #tpu.memory_space<semaphore_mem>>) src(%arg4 : memref<200x64xf32, #tpu.memory_space<hbm>>) dst(%arg6 : memref<200x64xf32, #tpu.memory_space<vmem>>)
      tpu.yield
    }) : () -> ()
    %scan3A = arith.constant 0 : i32
    %scan3A_1 = arith.constant 0 : i32
    %scan3A_2 = arith.constant 32 : i32
    %scan3A_3 = arith.addi %scan3A_1, %scan3A_2 : i32
    %scan3A_4 = arith.constant 1 : i32
    scf.for %scan3A_6 = %scan3A_1 to %scan3A_3 step %scan3A_4  : i32 {
      %mul3A_7 = arith.constant 256 : i32
      %mul3A_8 = arith.muli %add3A, %mul3A_7 : i32
      %mul3A_9 = arith.constant 8 : i32
      %mul3A_10 = arith.muli %scan3A_6, %mul3A_9 : i32
      %add3A_11 = arith.addi %mul3A_8, %mul3A_10 : i32
      "tpu.region"() ({
        %run_scoped3A = tpu.sem_alloc : memref<!tpu.dma_semaphore, #tpu.memory_space<semaphore_mem>>
        %dma_start3A_181 = arith.constant 0 : i32
        %dma_start3A_182 = tpu.memref_slice %arg3[%add3A_11, %dma_start3A_181] : memref<8192x100xi32, #tpu.memory_space<hbm>> -> memref<8x100xi32, #tpu.memory_space<hbm>>
        %dma_start3A_183 = arith.constant 0 : i32
        %dma_start3A_184 = tpu.memref_slice %arg3[%add3A_11, %dma_start3A_183] : memref<8192x100xi32, #tpu.memory_space<hbm>> -> memref<8x100xi32, #tpu.memory_space<hbm>>
        tpu.enqueue_dma source(%dma_start3A_184 : memref<8x100xi32, #tpu.memory_space<hbm>>) target(%arg7 : memref<8x100xi32, #tpu.memory_space<vmem>>) target_semaphore(%run_scoped3A : memref<!tpu.dma_semaphore, #tpu.memory_space<semaphore_mem>>)
        %dma_wait3A_185 = arith.constant 0 : i32
        %dma_wait3A_186 = tpu.memref_slice %arg3[%add3A_11, %dma_wait3A_185] : memref<8192x100xi32, #tpu.memory_space<hbm>> -> memref<8x100xi32, #tpu.memory_space<hbm>>
        %dma_wait3A_187 = arith.constant 0 : i32
        %dma_wait3A_188 = tpu.memref_slice %arg3[%add3A_11, %dma_wait3A_187] : memref<8192x100xi32, #tpu.memory_space<hbm>> -> memref<8x100xi32, #tpu.memory_space<hbm>>
        tpu.wait_dma2 semaphore(%run_scoped3A : memref<!tpu.dma_semaphore, #tpu.memory_space<semaphore_mem>>) src(%dma_wait3A_188 : memref<8x100xi32, #tpu.memory_space<hbm>>) dst(%arg7 : memref<8x100xi32, #tpu.memory_space<vmem>>)
        tpu.yield
      }) : () -> ()
      %dma_start3A = arith.constant 0 : i32
      %dma_start3A_12 = arith.constant 0 : i32
      %dma_start3A_13 = arith.constant 0 : i32
      %dma_start3A_14 = tpu.memref_slice %arg8[%dma_start3A_12, %dma_start3A_13] : memref<800x64xf32, #tpu.memory_space<vmem>> -> memref<100x64xf32, #tpu.memory_space<vmem>>
      %dma_start3A_15 = arith.constant 0 : i32
      %dma_start3A_16 = tpu.memref_slice %arg7[%dma_start3A, %dma_start3A_15] : memref<8x100xi32, #tpu.memory_space<vmem>> -> memref<1x100xi32, #tpu.memory_space<vmem>>
      %dma_start3A_17 = tpu.memref_squeeze %dma_start3A_16 : memref<1x100xi32, #tpu.memory_space<vmem>> -> memref<100xi32, #tpu.memory_space<vmem>>
      %dma_start3A_18 = arith.constant 0 : i32
      %dma_start3A_19 = arith.constant 0 : i32
      %dma_start3A_20 = tpu.memref_slice %arg2[%dma_start3A_18, %dma_start3A_19] : memref<100000x64xf32, #tpu.memory_space<hbm>> -> memref<100000x64xf32, #tpu.memory_space<hbm>>
      tpu.enqueue_indirect_dma source(%dma_start3A_20 : memref<100000x64xf32, #tpu.memory_space<hbm>>) target(%dma_start3A_14 : memref<100x64xf32, #tpu.memory_space<vmem>>) offsets(%dma_start3A_17 : memref<100xi32, #tpu.memory_space<vmem>>) semaphore(%arg9 : memref<!tpu.dma_semaphore, #tpu.memory_space<semaphore_mem>>)
      %dma_start3A_21 = arith.constant 1 : i32
      %dma_start3A_22 = arith.constant 100 : i32
      %dma_start3A_23 = arith.constant 0 : i32
      %dma_start3A_24 = tpu.memref_slice %arg8[%dma_start3A_22, %dma_start3A_23] : memref<800x64xf32, #tpu.memory_space<vmem>> -> memref<100x64xf32, #tpu.memory_space<vmem>>
      %dma_start3A_25 = arith.constant 0 : i32
      %dma_start3A_26 = tpu.memref_slice %arg7[%dma_start3A_21, %dma_start3A_25] : memref<8x100xi32, #tpu.memory_space<vmem>> -> memref<1x100xi32, #tpu.memory_space<vmem>>
      %dma_start3A_27 = tpu.memref_squeeze %dma_start3A_26 : memref<1x100xi32, #tpu.memory_space<vmem>> -> memref<100xi32, #tpu.memory_space<vmem>>
      %dma_start3A_28 = arith.constant 0 : i32
      %dma_start3A_29 = arith.constant 0 : i32
      %dma_start3A_30 = tpu.memref_slice %arg2[%dma_start3A_28, %dma_start3A_29] : memref<100000x64xf32, #tpu.memory_space<hbm>> -> memref<100000x64xf32, #tpu.memory_space<hbm>>
      tpu.enqueue_indirect_dma source(%dma_start3A_30 : memref<100000x64xf32, #tpu.memory_space<hbm>>) target(%dma_start3A_24 : memref<100x64xf32, #tpu.memory_space<vmem>>) offsets(%dma_start3A_27 : memref<100xi32, #tpu.memory_space<vmem>>) semaphore(%arg9 : memref<!tpu.dma_semaphore, #tpu.memory_space<semaphore_mem>>)
      %dma_start3A_31 = arith.constant 2 : i32
      %dma_start3A_32 = arith.constant 200 : i32
      %dma_start3A_33 = arith.constant 0 : i32
      %dma_start3A_34 = tpu.memref_slice %arg8[%dma_start3A_32, %dma_start3A_33] : memref<800x64xf32, #tpu.memory_space<vmem>> -> memref<100x64xf32, #tpu.memory_space<vmem>>
      %dma_start3A_35 = arith.constant 0 : i32
      %dma_start3A_36 = tpu.memref_slice %arg7[%dma_start3A_31, %dma_start3A_35] : memref<8x100xi32, #tpu.memory_space<vmem>> -> memref<1x100xi32, #tpu.memory_space<vmem>>
      %dma_start3A_37 = tpu.memref_squeeze %dma_start3A_36 : memref<1x100xi32, #tpu.memory_space<vmem>> -> memref<100xi32, #tpu.memory_space<vmem>>
      %dma_start3A_38 = arith.constant 0 : i32
      %dma_start3A_39 = arith.constant 0 : i32
      %dma_start3A_40 = tpu.memref_slice %arg2[%dma_start3A_38, %dma_start3A_39] : memref<100000x64xf32, #tpu.memory_space<hbm>> -> memref<100000x64xf32, #tpu.memory_space<hbm>>
      tpu.enqueue_indirect_dma source(%dma_start3A_40 : memref<100000x64xf32, #tpu.memory_space<hbm>>) target(%dma_start3A_34 : memref<100x64xf32, #tpu.memory_space<vmem>>) offsets(%dma_start3A_37 : memref<100xi32, #tpu.memory_space<vmem>>) semaphore(%arg9 : memref<!tpu.dma_semaphore, #tpu.memory_space<semaphore_mem>>)
      %dma_start3A_41 = arith.constant 3 : i32
      %dma_start3A_42 = arith.constant 300 : i32
      %dma_start3A_43 = arith.constant 0 : i32
      %dma_start3A_44 = tpu.memref_slice %arg8[%dma_start3A_42, %dma_start3A_43] : memref<800x64xf32, #tpu.memory_space<vmem>> -> memref<100x64xf32, #tpu.memory_space<vmem>>
      %dma_start3A_45 = arith.constant 0 : i32
      %dma_start3A_46 = tpu.memref_slice %arg7[%dma_start3A_41, %dma_start3A_45] : memref<8x100xi32, #tpu.memory_space<vmem>> -> memref<1x100xi32, #tpu.memory_space<vmem>>
      %dma_start3A_47 = tpu.memref_squeeze %dma_start3A_46 : memref<1x100xi32, #tpu.memory_space<vmem>> -> memref<100xi32, #tpu.memory_space<vmem>>
      %dma_start3A_48 = arith.constant 0 : i32
      %dma_start3A_49 = arith.constant 0 : i32
      %dma_start3A_50 = tpu.memref_slice %arg2[%dma_start3A_48, %dma_start3A_49] : memref<100000x64xf32, #tpu.memory_space<hbm>> -> memref<100000x64xf32, #tpu.memory_space<hbm>>
      tpu.enqueue_indirect_dma source(%dma_start3A_50 : memref<100000x64xf32, #tpu.memory_space<hbm>>) target(%dma_start3A_44 : memref<100x64xf32, #tpu.memory_space<vmem>>) offsets(%dma_start3A_47 : memref<100xi32, #tpu.memory_space<vmem>>) semaphore(%arg9 : memref<!tpu.dma_semaphore, #tpu.memory_space<semaphore_mem>>)
      %dma_start3A_51 = arith.constant 4 : i32
      %dma_start3A_52 = arith.constant 400 : i32
      %dma_start3A_53 = arith.constant 0 : i32
      %dma_start3A_54 = tpu.memref_slice %arg8[%dma_start3A_52, %dma_start3A_53] : memref<800x64xf32, #tpu.memory_space<vmem>> -> memref<100x64xf32, #tpu.memory_space<vmem>>
      %dma_start3A_55 = arith.constant 0 : i32
      %dma_start3A_56 = tpu.memref_slice %arg7[%dma_start3A_51, %dma_start3A_55] : memref<8x100xi32, #tpu.memory_space<vmem>> -> memref<1x100xi32, #tpu.memory_space<vmem>>
      %dma_start3A_57 = tpu.memref_squeeze %dma_start3A_56 : memref<1x100xi32, #tpu.memory_space<vmem>> -> memref<100xi32, #tpu.memory_space<vmem>>
      %dma_start3A_58 = arith.constant 0 : i32
      %dma_start3A_59 = arith.constant 0 : i32
      %dma_start3A_60 = tpu.memref_slice %arg2[%dma_start3A_58, %dma_start3A_59] : memref<100000x64xf32, #tpu.memory_space<hbm>> -> memref<100000x64xf32, #tpu.memory_space<hbm>>
      tpu.enqueue_indirect_dma source(%dma_start3A_60 : memref<100000x64xf32, #tpu.memory_space<hbm>>) target(%dma_start3A_54 : memref<100x64xf32, #tpu.memory_space<vmem>>) offsets(%dma_start3A_57 : memref<100xi32, #tpu.memory_space<vmem>>) semaphore(%arg9 : memref<!tpu.dma_semaphore, #tpu.memory_space<semaphore_mem>>)
      %dma_start3A_61 = arith.constant 5 : i32
      %dma_start3A_62 = arith.constant 500 : i32
      %dma_start3A_63 = arith.constant 0 : i32
      %dma_start3A_64 = tpu.memref_slice %arg8[%dma_start3A_62, %dma_start3A_63] : memref<800x64xf32, #tpu.memory_space<vmem>> -> memref<100x64xf32, #tpu.memory_space<vmem>>
      %dma_start3A_65 = arith.constant 0 : i32
      %dma_start3A_66 = tpu.memref_slice %arg7[%dma_start3A_61, %dma_start3A_65] : memref<8x100xi32, #tpu.memory_space<vmem>> -> memref<1x100xi32, #tpu.memory_space<vmem>>
      %dma_start3A_67 = tpu.memref_squeeze %dma_start3A_66 : memref<1x100xi32, #tpu.memory_space<vmem>> -> memref<100xi32, #tpu.memory_space<vmem>>
      %dma_start3A_68 = arith.constant 0 : i32
      %dma_start3A_69 = arith.constant 0 : i32
      %dma_start3A_70 = tpu.memref_slice %arg2[%dma_start3A_68, %dma_start3A_69] : memref<100000x64xf32, #tpu.memory_space<hbm>> -> memref<100000x64xf32, #tpu.memory_space<hbm>>
      tpu.enqueue_indirect_dma source(%dma_start3A_70 : memref<100000x64xf32, #tpu.memory_space<hbm>>) target(%dma_start3A_64 : memref<100x64xf32, #tpu.memory_space<vmem>>) offsets(%dma_start3A_67 : memref<100xi32, #tpu.memory_space<vmem>>) semaphore(%arg9 : memref<!tpu.dma_semaphore, #tpu.memory_space<semaphore_mem>>)
      %dma_start3A_71 = arith.constant 6 : i32
      %dma_start3A_72 = arith.constant 600 : i32
      %dma_start3A_73 = arith.constant 0 : i32
      %dma_start3A_74 = tpu.memref_slice %arg8[%dma_start3A_72, %dma_start3A_73] : memref<800x64xf32, #tpu.memory_space<vmem>> -> memref<100x64xf32, #tpu.memory_space<vmem>>
      %dma_start3A_75 = arith.constant 0 : i32
      %dma_start3A_76 = tpu.memref_slice %arg7[%dma_start3A_71, %dma_start3A_75] : memref<8x100xi32, #tpu.memory_space<vmem>> -> memref<1x100xi32, #tpu.memory_space<vmem>>
      %dma_start3A_77 = tpu.memref_squeeze %dma_start3A_76 : memref<1x100xi32, #tpu.memory_space<vmem>> -> memref<100xi32, #tpu.memory_space<vmem>>
      %dma_start3A_78 = arith.constant 0 : i32
      %dma_start3A_79 = arith.constant 0 : i32
      %dma_start3A_80 = tpu.memref_slice %arg2[%dma_start3A_78, %dma_start3A_79] : memref<100000x64xf32, #tpu.memory_space<hbm>> -> memref<100000x64xf32, #tpu.memory_space<hbm>>
      tpu.enqueue_indirect_dma source(%dma_start3A_80 : memref<100000x64xf32, #tpu.memory_space<hbm>>) target(%dma_start3A_74 : memref<100x64xf32, #tpu.memory_space<vmem>>) offsets(%dma_start3A_77 : memref<100xi32, #tpu.memory_space<vmem>>) semaphore(%arg9 : memref<!tpu.dma_semaphore, #tpu.memory_space<semaphore_mem>>)
      %dma_start3A_81 = arith.constant 7 : i32
      %dma_start3A_82 = arith.constant 700 : i32
      %dma_start3A_83 = arith.constant 0 : i32
      %dma_start3A_84 = tpu.memref_slice %arg8[%dma_start3A_82, %dma_start3A_83] : memref<800x64xf32, #tpu.memory_space<vmem>> -> memref<100x64xf32, #tpu.memory_space<vmem>>
      %dma_start3A_85 = arith.constant 0 : i32
      %dma_start3A_86 = tpu.memref_slice %arg7[%dma_start3A_81, %dma_start3A_85] : memref<8x100xi32, #tpu.memory_space<vmem>> -> memref<1x100xi32, #tpu.memory_space<vmem>>
      %dma_start3A_87 = tpu.memref_squeeze %dma_start3A_86 : memref<1x100xi32, #tpu.memory_space<vmem>> -> memref<100xi32, #tpu.memory_space<vmem>>
      %dma_start3A_88 = arith.constant 0 : i32
      %dma_start3A_89 = arith.constant 0 : i32
      %dma_start3A_90 = tpu.memref_slice %arg2[%dma_start3A_88, %dma_start3A_89] : memref<100000x64xf32, #tpu.memory_space<hbm>> -> memref<100000x64xf32, #tpu.memory_space<hbm>>
      tpu.enqueue_indirect_dma source(%dma_start3A_90 : memref<100000x64xf32, #tpu.memory_space<hbm>>) target(%dma_start3A_84 : memref<100x64xf32, #tpu.memory_space<vmem>>) offsets(%dma_start3A_87 : memref<100xi32, #tpu.memory_space<vmem>>) semaphore(%arg9 : memref<!tpu.dma_semaphore, #tpu.memory_space<semaphore_mem>>)
      %dma_wait3A = arith.constant 0 : i32
      %dma_wait3A_91 = arith.constant 0 : i32
      %dma_wait3A_92 = arith.constant 0 : i32
      %dma_wait3A_93 = tpu.memref_slice %arg8[%dma_wait3A_91, %dma_wait3A_92] : memref<800x64xf32, #tpu.memory_space<vmem>> -> memref<100x64xf32, #tpu.memory_space<vmem>>
      %dma_wait3A_94 = arith.constant 0 : i32
      %dma_wait3A_95 = tpu.memref_slice %arg7[%dma_wait3A, %dma_wait3A_94] : memref<8x100xi32, #tpu.memory_space<vmem>> -> memref<1x100xi32, #tpu.memory_space<vmem>>
      %dma_wait3A_96 = tpu.memref_squeeze %dma_wait3A_95 : memref<1x100xi32, #tpu.memory_space<vmem>> -> memref<100xi32, #tpu.memory_space<vmem>>
      %dma_wait3A_97 = arith.constant 0 : i32
      %dma_wait3A_98 = arith.constant 0 : i32
      %dma_wait3A_99 = tpu.memref_slice %arg2[%dma_wait3A_97, %dma_wait3A_98] : memref<100000x64xf32, #tpu.memory_space<hbm>> -> memref<100000x64xf32, #tpu.memory_space<hbm>>
      tpu.wait_indirect_dma semaphore(%arg9 : memref<!tpu.dma_semaphore, #tpu.memory_space<semaphore_mem>>) src(%dma_wait3A_99 : memref<100000x64xf32, #tpu.memory_space<hbm>>) dst(%dma_wait3A_93 : memref<100x64xf32, #tpu.memory_space<vmem>>)
      %dma_wait3A_100 = arith.constant 1 : i32
      %dma_wait3A_101 = arith.constant 100 : i32
      %dma_wait3A_102 = arith.constant 0 : i32
      %dma_wait3A_103 = tpu.memref_slice %arg8[%dma_wait3A_101, %dma_wait3A_102] : memref<800x64xf32, #tpu.memory_space<vmem>> -> memref<100x64xf32, #tpu.memory_space<vmem>>
      %dma_wait3A_104 = arith.constant 0 : i32
      %dma_wait3A_105 = tpu.memref_slice %arg7[%dma_wait3A_100, %dma_wait3A_104] : memref<8x100xi32, #tpu.memory_space<vmem>> -> memref<1x100xi32, #tpu.memory_space<vmem>>
      %dma_wait3A_106 = tpu.memref_squeeze %dma_wait3A_105 : memref<1x100xi32, #tpu.memory_space<vmem>> -> memref<100xi32, #tpu.memory_space<vmem>>
      %dma_wait3A_107 = arith.constant 0 : i32
      %dma_wait3A_108 = arith.constant 0 : i32
      %dma_wait3A_109 = tpu.memref_slice %arg2[%dma_wait3A_107, %dma_wait3A_108] : memref<100000x64xf32, #tpu.memory_space<hbm>> -> memref<100000x64xf32, #tpu.memory_space<hbm>>
      tpu.wait_indirect_dma semaphore(%arg9 : memref<!tpu.dma_semaphore, #tpu.memory_space<semaphore_mem>>) src(%dma_wait3A_109 : memref<100000x64xf32, #tpu.memory_space<hbm>>) dst(%dma_wait3A_103 : memref<100x64xf32, #tpu.memory_space<vmem>>)
      %dma_wait3A_110 = arith.constant 2 : i32
      %dma_wait3A_111 = arith.constant 200 : i32
      %dma_wait3A_112 = arith.constant 0 : i32
      %dma_wait3A_113 = tpu.memref_slice %arg8[%dma_wait3A_111, %dma_wait3A_112] : memref<800x64xf32, #tpu.memory_space<vmem>> -> memref<100x64xf32, #tpu.memory_space<vmem>>
      %dma_wait3A_114 = arith.constant 0 : i32
      %dma_wait3A_115 = tpu.memref_slice %arg7[%dma_wait3A_110, %dma_wait3A_114] : memref<8x100xi32, #tpu.memory_space<vmem>> -> memref<1x100xi32, #tpu.memory_space<vmem>>
      %dma_wait3A_116 = tpu.memref_squeeze %dma_wait3A_115 : memref<1x100xi32, #tpu.memory_space<vmem>> -> memref<100xi32, #tpu.memory_space<vmem>>
      %dma_wait3A_117 = arith.constant 0 : i32
      %dma_wait3A_118 = arith.constant 0 : i32
      %dma_wait3A_119 = tpu.memref_slice %arg2[%dma_wait3A_117, %dma_wait3A_118] : memref<100000x64xf32, #tpu.memory_space<hbm>> -> memref<100000x64xf32, #tpu.memory_space<hbm>>
      tpu.wait_indirect_dma semaphore(%arg9 : memref<!tpu.dma_semaphore, #tpu.memory_space<semaphore_mem>>) src(%dma_wait3A_119 : memref<100000x64xf32, #tpu.memory_space<hbm>>) dst(%dma_wait3A_113 : memref<100x64xf32, #tpu.memory_space<vmem>>)
      %dma_wait3A_120 = arith.constant 3 : i32
      %dma_wait3A_121 = arith.constant 300 : i32
      %dma_wait3A_122 = arith.constant 0 : i32
      %dma_wait3A_123 = tpu.memref_slice %arg8[%dma_wait3A_121, %dma_wait3A_122] : memref<800x64xf32, #tpu.memory_space<vmem>> -> memref<100x64xf32, #tpu.memory_space<vmem>>
      %dma_wait3A_124 = arith.constant 0 : i32
      %dma_wait3A_125 = tpu.memref_slice %arg7[%dma_wait3A_120, %dma_wait3A_124] : memref<8x100xi32, #tpu.memory_space<vmem>> -> memref<1x100xi32, #tpu.memory_space<vmem>>
      %dma_wait3A_126 = tpu.memref_squeeze %dma_wait3A_125 : memref<1x100xi32, #tpu.memory_space<vmem>> -> memref<100xi32, #tpu.memory_space<vmem>>
      %dma_wait3A_127 = arith.constant 0 : i32
      %dma_wait3A_128 = arith.constant 0 : i32
      %dma_wait3A_129 = tpu.memref_slice %arg2[%dma_wait3A_127, %dma_wait3A_128] : memref<100000x64xf32, #tpu.memory_space<hbm>> -> memref<100000x64xf32, #tpu.memory_space<hbm>>
      tpu.wait_indirect_dma semaphore(%arg9 : memref<!tpu.dma_semaphore, #tpu.memory_space<semaphore_mem>>) src(%dma_wait3A_129 : memref<100000x64xf32, #tpu.memory_space<hbm>>) dst(%dma_wait3A_123 : memref<100x64xf32, #tpu.memory_space<vmem>>)
      %dma_wait3A_130 = arith.constant 4 : i32
      %dma_wait3A_131 = arith.constant 400 : i32
      %dma_wait3A_132 = arith.constant 0 : i32
      %dma_wait3A_133 = tpu.memref_slice %arg8[%dma_wait3A_131, %dma_wait3A_132] : memref<800x64xf32, #tpu.memory_space<vmem>> -> memref<100x64xf32, #tpu.memory_space<vmem>>
      %dma_wait3A_134 = arith.constant 0 : i32
      %dma_wait3A_135 = tpu.memref_slice %arg7[%dma_wait3A_130, %dma_wait3A_134] : memref<8x100xi32, #tpu.memory_space<vmem>> -> memref<1x100xi32, #tpu.memory_space<vmem>>
      %dma_wait3A_136 = tpu.memref_squeeze %dma_wait3A_135 : memref<1x100xi32, #tpu.memory_space<vmem>> -> memref<100xi32, #tpu.memory_space<vmem>>
      %dma_wait3A_137 = arith.constant 0 : i32
      %dma_wait3A_138 = arith.constant 0 : i32
      %dma_wait3A_139 = tpu.memref_slice %arg2[%dma_wait3A_137, %dma_wait3A_138] : memref<100000x64xf32, #tpu.memory_space<hbm>> -> memref<100000x64xf32, #tpu.memory_space<hbm>>
      tpu.wait_indirect_dma semaphore(%arg9 : memref<!tpu.dma_semaphore, #tpu.memory_space<semaphore_mem>>) src(%dma_wait3A_139 : memref<100000x64xf32, #tpu.memory_space<hbm>>) dst(%dma_wait3A_133 : memref<100x64xf32, #tpu.memory_space<vmem>>)
      %dma_wait3A_140 = arith.constant 5 : i32
      %dma_wait3A_141 = arith.constant 500 : i32
      %dma_wait3A_142 = arith.constant 0 : i32
      %dma_wait3A_143 = tpu.memref_slice %arg8[%dma_wait3A_141, %dma_wait3A_142] : memref<800x64xf32, #tpu.memory_space<vmem>> -> memref<100x64xf32, #tpu.memory_space<vmem>>
      %dma_wait3A_144 = arith.constant 0 : i32
      %dma_wait3A_145 = tpu.memref_slice %arg7[%dma_wait3A_140, %dma_wait3A_144] : memref<8x100xi32, #tpu.memory_space<vmem>> -> memref<1x100xi32, #tpu.memory_space<vmem>>
      %dma_wait3A_146 = tpu.memref_squeeze %dma_wait3A_145 : memref<1x100xi32, #tpu.memory_space<vmem>> -> memref<100xi32, #tpu.memory_space<vmem>>
      %dma_wait3A_147 = arith.constant 0 : i32
      %dma_wait3A_148 = arith.constant 0 : i32
      %dma_wait3A_149 = tpu.memref_slice %arg2[%dma_wait3A_147, %dma_wait3A_148] : memref<100000x64xf32, #tpu.memory_space<hbm>> -> memref<100000x64xf32, #tpu.memory_space<hbm>>
      tpu.wait_indirect_dma semaphore(%arg9 : memref<!tpu.dma_semaphore, #tpu.memory_space<semaphore_mem>>) src(%dma_wait3A_149 : memref<100000x64xf32, #tpu.memory_space<hbm>>) dst(%dma_wait3A_143 : memref<100x64xf32, #tpu.memory_space<vmem>>)
      %dma_wait3A_150 = arith.constant 6 : i32
      %dma_wait3A_151 = arith.constant 600 : i32
      %dma_wait3A_152 = arith.constant 0 : i32
      %dma_wait3A_153 = tpu.memref_slice %arg8[%dma_wait3A_151, %dma_wait3A_152] : memref<800x64xf32, #tpu.memory_space<vmem>> -> memref<100x64xf32, #tpu.memory_space<vmem>>
      %dma_wait3A_154 = arith.constant 0 : i32
      %dma_wait3A_155 = tpu.memref_slice %arg7[%dma_wait3A_150, %dma_wait3A_154] : memref<8x100xi32, #tpu.memory_space<vmem>> -> memref<1x100xi32, #tpu.memory_space<vmem>>
      %dma_wait3A_156 = tpu.memref_squeeze %dma_wait3A_155 : memref<1x100xi32, #tpu.memory_space<vmem>> -> memref<100xi32, #tpu.memory_space<vmem>>
      %dma_wait3A_157 = arith.constant 0 : i32
      %dma_wait3A_158 = arith.constant 0 : i32
      %dma_wait3A_159 = tpu.memref_slice %arg2[%dma_wait3A_157, %dma_wait3A_158] : memref<100000x64xf32, #tpu.memory_space<hbm>> -> memref<100000x64xf32, #tpu.memory_space<hbm>>
      tpu.wait_indirect_dma semaphore(%arg9 : memref<!tpu.dma_semaphore, #tpu.memory_space<semaphore_mem>>) src(%dma_wait3A_159 : memref<100000x64xf32, #tpu.memory_space<hbm>>) dst(%dma_wait3A_153 : memref<100x64xf32, #tpu.memory_space<vmem>>)
      %dma_wait3A_160 = arith.constant 7 : i32
      %dma_wait3A_161 = arith.constant 700 : i32
      %dma_wait3A_162 = arith.constant 0 : i32
      %dma_wait3A_163 = tpu.memref_slice %arg8[%dma_wait3A_161, %dma_wait3A_162] : memref<800x64xf32, #tpu.memory_space<vmem>> -> memref<100x64xf32, #tpu.memory_space<vmem>>
      %dma_wait3A_164 = arith.constant 0 : i32
      %dma_wait3A_165 = tpu.memref_slice %arg7[%dma_wait3A_160, %dma_wait3A_164] : memref<8x100xi32, #tpu.memory_space<vmem>> -> memref<1x100xi32, #tpu.memory_space<vmem>>
      %dma_wait3A_166 = tpu.memref_squeeze %dma_wait3A_165 : memref<1x100xi32, #tpu.memory_space<vmem>> -> memref<100xi32, #tpu.memory_space<vmem>>
      %dma_wait3A_167 = arith.constant 0 : i32
      %dma_wait3A_168 = arith.constant 0 : i32
      %dma_wait3A_169 = tpu.memref_slice %arg2[%dma_wait3A_167, %dma_wait3A_168] : memref<100000x64xf32, #tpu.memory_space<hbm>> -> memref<100000x64xf32, #tpu.memory_space<hbm>>
      tpu.wait_indirect_dma semaphore(%arg9 : memref<!tpu.dma_semaphore, #tpu.memory_space<semaphore_mem>>) src(%dma_wait3A_169 : memref<100000x64xf32, #tpu.memory_space<hbm>>) dst(%dma_wait3A_163 : memref<100x64xf32, #tpu.memory_space<vmem>>)
      %scan3A_170 = arith.constant 0 : i32
      %scan3A_171 = arith.constant 0 : i32
      %scan3A_172 = arith.constant 200 : i32
      %scan3A_173 = arith.addi %scan3A_171, %scan3A_172 : i32
      %scan3A_174 = arith.constant 1 : i32
      scf.for %scan3A_181 = %scan3A_171 to %scan3A_173 step %scan3A_174  : i32 {
        %get3A = arith.index_cast %scan3A_181 : i32 to index
        %get3A_182 = arith.constant 0 : index
        %get3A_183 = tpu.vector_load %arg6[%get3A, %get3A_182] {strides = array<i32>} : memref<200x64xf32, #tpu.memory_space<vmem>>, vector<1x16xf32>,
        %get3A_184 = vector.shape_cast %get3A_183 : vector<1x16xf32> to vector<16xf32>
        %get3A_185 = arith.index_cast %scan3A_181 : i32 to index
        %get3A_186 = arith.constant 16 : index
        %get3A_187 = tpu.vector_load %arg6[%get3A_185, %get3A_186] {strides = array<i32>} : memref<200x64xf32, #tpu.memory_space<vmem>>, vector<1x16xf32>,
        %get3A_188 = vector.shape_cast %get3A_187 : vector<1x16xf32> to vector<16xf32>
        %get3A_189 = arith.index_cast %scan3A_181 : i32 to index
        %get3A_190 = arith.constant 32 : index
        %get3A_191 = tpu.vector_load %arg6[%get3A_189, %get3A_190] {strides = array<i32>} : memref<200x64xf32, #tpu.memory_space<vmem>>, vector<1x16xf32>,
        %get3A_192 = vector.shape_cast %get3A_191 : vector<1x16xf32> to vector<16xf32>
        %get3A_193 = arith.index_cast %scan3A_181 : i32 to index
        %get3A_194 = arith.constant 48 : index
        %get3A_195 = tpu.vector_load %arg6[%get3A_193, %get3A_194] {strides = array<i32>} : memref<200x64xf32, #tpu.memory_space<vmem>>, vector<1x16xf32>,
        %get3A_196 = vector.shape_cast %get3A_195 : vector<1x16xf32> to vector<16xf32>
        %add3A_197 = arith.constant 0 : i32
        %add3A_198 = arith.addi %add3A_197, %scan3A_181 : i32
        %get3A_199 = arith.index_cast %add3A_198 : i32 to index
        %get3A_200 = arith.constant 0 : index
        %get3A_201 = tpu.vector_load %arg8[%get3A_199, %get3A_200] {strides = array<i32>} : memref<800x64xf32, #tpu.memory_space<vmem>>, vector<1x16xf32>,
        %get3A_202 = vector.shape_cast %get3A_201 : vector<1x16xf32> to vector<16xf32>
        %add3A_203 = arith.addf %get3A_202, %get3A_184 : vector<16xf32>
        %swap3A = arith.index_cast %add3A_198 : i32 to index
        %swap3A_204 = arith.constant 0 : index
        %swap3A_205 = tpu.vector_load %arg8[%swap3A, %swap3A_204] {strides = array<i32>} : memref<800x64xf32, #tpu.memory_space<vmem>>, vector<1x16xf32>,
        %swap3A_206 = vector.shape_cast %swap3A_205 : vector<1x16xf32> to vector<16xf32>
        %swap3A_207 = vector.shape_cast %add3A_203 : vector<16xf32> to vector<1x16xf32>
        tpu.vector_store %arg8[%swap3A, %swap3A_204], %swap3A_207 {strides = array<i32>} : memref<800x64xf32, #tpu.memory_space<vmem>>, vector<1x16xf32>,
        %get3A_208 = arith.index_cast %add3A_198 : i32 to index
        %get3A_209 = arith.constant 16 : index
        %get3A_210 = tpu.vector_load %arg8[%get3A_208, %get3A_209] {strides = array<i32>} : memref<800x64xf32, #tpu.memory_space<vmem>>, vector<1x16xf32>,
        %get3A_211 = vector.shape_cast %get3A_210 : vector<1x16xf32> to vector<16xf32>
        %add3A_212 = arith.addf %get3A_211, %get3A_188 : vector<16xf32>
        %swap3A_213 = arith.index_cast %add3A_198 : i32 to index
        %swap3A_214 = arith.constant 16 : index
        %swap3A_215 = tpu.vector_load %arg8[%swap3A_213, %swap3A_214] {strides = array<i32>} : memref<800x64xf32, #tpu.memory_space<vmem>>, vector<1x16xf32>,
        %swap3A_216 = vector.shape_cast %swap3A_215 : vector<1x16xf32> to vector<16xf32>
        %swap3A_217 = vector.shape_cast %add3A_212 : vector<16xf32> to vector<1x16xf32>
        tpu.vector_store %arg8[%swap3A_213, %swap3A_214], %swap3A_217 {strides = array<i32>} : memref<800x64xf32, #tpu.memory_space<vmem>>, vector<1x16xf32>,
        %get3A_218 = arith.index_cast %add3A_198 : i32 to index
        %get3A_219 = arith.constant 32 : index
        %get3A_220 = tpu.vector_load %arg8[%get3A_218, %get3A_219] {strides = array<i32>} : memref<800x64xf32, #tpu.memory_space<vmem>>, vector<1x16xf32>,
        %get3A_221 = vector.shape_cast %get3A_220 : vector<1x16xf32> to vector<16xf32>
        %add3A_222 = arith.addf %get3A_221, %get3A_192 : vector<16xf32>
        %swap3A_223 = arith.index_cast %add3A_198 : i32 to index
        %swap3A_224 = arith.constant 32 : index
        %swap3A_225 = tpu.vector_load %arg8[%swap3A_223, %swap3A_224] {strides = array<i32>} : memref<800x64xf32, #tpu.memory_space<vmem>>, vector<1x16xf32>,
        %swap3A_226 = vector.shape_cast %swap3A_225 : vector<1x16xf32> to vector<16xf32>
        %swap3A_227 = vector.shape_cast %add3A_222 : vector<16xf32> to vector<1x16xf32>
        tpu.vector_store %arg8[%swap3A_223, %swap3A_224], %swap3A_227 {strides = array<i32>} : memref<800x64xf32, #tpu.memory_space<vmem>>, vector<1x16xf32>,
        %get3A_228 = arith.index_cast %add3A_198 : i32 to index
        %get3A_229 = arith.constant 48 : index
        %get3A_230 = tpu.vector_load %arg8[%get3A_228, %get3A_229] {strides = array<i32>} : memref<800x64xf32, #tpu.memory_space<vmem>>, vector<1x16xf32>,
        %get3A_231 = vector.shape_cast %get3A_230 : vector<1x16xf32> to vector<16xf32>
        %add3A_232 = arith.addf %get3A_231, %get3A_196 : vector<16xf32>
        %swap3A_233 = arith.index_cast %add3A_198 : i32 to index
        %swap3A_234 = arith.constant 48 : index
        %swap3A_235 = tpu.vector_load %arg8[%swap3A_233, %swap3A_234] {strides = array<i32>} : memref<800x64xf32, #tpu.memory_space<vmem>>, vector<1x16xf32>,
        %swap3A_236 = vector.shape_cast %swap3A_235 : vector<1x16xf32> to vector<16xf32>
        %swap3A_237 = vector.shape_cast %add3A_232 : vector<16xf32> to vector<1x16xf32>
        tpu.vector_store %arg8[%swap3A_233, %swap3A_234], %swap3A_237 {strides = array<i32>} : memref<800x64xf32, #tpu.memory_space<vmem>>, vector<1x16xf32>,
        %add3A_238 = arith.constant 200 : i32
        %add3A_239 = arith.addi %add3A_238, %scan3A_181 : i32
        %get3A_240 = arith.index_cast %add3A_239 : i32 to index
        %get3A_241 = arith.constant 0 : index
        %get3A_242 = tpu.vector_load %arg8[%get3A_240, %get3A_241] {strides = array<i32>} : memref<800x64xf32, #tpu.memory_space<vmem>>, vector<1x16xf32>,
        %get3A_243 = vector.shape_cast %get3A_242 : vector<1x16xf32> to vector<16xf32>
        %add3A_244 = arith.addf %get3A_243, %get3A_184 : vector<16xf32>
        %swap3A_245 = arith.index_cast %add3A_239 : i32 to index
        %swap3A_246 = arith.constant 0 : index
        %swap3A_247 = tpu.vector_load %arg8[%swap3A_245, %swap3A_246] {strides = array<i32>} : memref<800x64xf32, #tpu.memory_space<vmem>>, vector<1x16xf32>,
        %swap3A_248 = vector.shape_cast %swap3A_247 : vector<1x16xf32> to vector<16xf32>
        %swap3A_249 = vector.shape_cast %add3A_244 : vector<16xf32> to vector<1x16xf32>
        tpu.vector_store %arg8[%swap3A_245, %swap3A_246], %swap3A_249 {strides = array<i32>} : memref<800x64xf32, #tpu.memory_space<vmem>>, vector<1x16xf32>,
        %get3A_250 = arith.index_cast %add3A_239 : i32 to index
        %get3A_251 = arith.constant 16 : index
        %get3A_252 = tpu.vector_load %arg8[%get3A_250, %get3A_251] {strides = array<i32>} : memref<800x64xf32, #tpu.memory_space<vmem>>, vector<1x16xf32>,
        %get3A_253 = vector.shape_cast %get3A_252 : vector<1x16xf32> to vector<16xf32>
        %add3A_254 = arith.addf %get3A_253, %get3A_188 : vector<16xf32>
        %swap3A_255 = arith.index_cast %add3A_239 : i32 to index
        %swap3A_256 = arith.constant 16 : index
        %swap3A_257 = tpu.vector_load %arg8[%swap3A_255, %swap3A_256] {strides = array<i32>} : memref<800x64xf32, #tpu.memory_space<vmem>>, vector<1x16xf32>,
        %swap3A_258 = vector.shape_cast %swap3A_257 : vector<1x16xf32> to vector<16xf32>
        %swap3A_259 = vector.shape_cast %add3A_254 : vector<16xf32> to vector<1x16xf32>
        tpu.vector_store %arg8[%swap3A_255, %swap3A_256], %swap3A_259 {strides = array<i32>} : memref<800x64xf32, #tpu.memory_space<vmem>>, vector<1x16xf32>,
        %get3A_260 = arith.index_cast %add3A_239 : i32 to index
        %get3A_261 = arith.constant 32 : index
        %get3A_262 = tpu.vector_load %arg8[%get3A_260, %get3A_261] {strides = array<i32>} : memref<800x64xf32, #tpu.memory_space<vmem>>, vector<1x16xf32>,
        %get3A_263 = vector.shape_cast %get3A_262 : vector<1x16xf32> to vector<16xf32>
        %add3A_264 = arith.addf %get3A_263, %get3A_192 : vector<16xf32>
        %swap3A_265 = arith.index_cast %add3A_239 : i32 to index
        %swap3A_266 = arith.constant 32 : index
        %swap3A_267 = tpu.vector_load %arg8[%swap3A_265, %swap3A_266] {strides = array<i32>} : memref<800x64xf32, #tpu.memory_space<vmem>>, vector<1x16xf32>,
        %swap3A_268 = vector.shape_cast %swap3A_267 : vector<1x16xf32> to vector<16xf32>
        %swap3A_269 = vector.shape_cast %add3A_264 : vector<16xf32> to vector<1x16xf32>
        tpu.vector_store %arg8[%swap3A_265, %swap3A_266], %swap3A_269 {strides = array<i32>} : memref<800x64xf32, #tpu.memory_space<vmem>>, vector<1x16xf32>,
        %get3A_270 = arith.index_cast %add3A_239 : i32 to index
        %get3A_271 = arith.constant 48 : index
        %get3A_272 = tpu.vector_load %arg8[%get3A_270, %get3A_271] {strides = array<i32>} : memref<800x64xf32, #tpu.memory_space<vmem>>, vector<1x16xf32>,
        %get3A_273 = vector.shape_cast %get3A_272 : vector<1x16xf32> to vector<16xf32>
        %add3A_274 = arith.addf %get3A_273, %get3A_196 : vector<16xf32>
        %swap3A_275 = arith.index_cast %add3A_239 : i32 to index
        %swap3A_276 = arith.constant 48 : index
        %swap3A_277 = tpu.vector_load %arg8[%swap3A_275, %swap3A_276] {strides = array<i32>} : memref<800x64xf32, #tpu.memory_space<vmem>>, vector<1x16xf32>,
        %swap3A_278 = vector.shape_cast %swap3A_277 : vector<1x16xf32> to vector<16xf32>
        %swap3A_279 = vector.shape_cast %add3A_274 : vector<16xf32> to vector<1x16xf32>
        tpu.vector_store %arg8[%swap3A_275, %swap3A_276], %swap3A_279 {strides = array<i32>} : memref<800x64xf32, #tpu.memory_space<vmem>>, vector<1x16xf32>,
        %add3A_280 = arith.constant 400 : i32
        %add3A_281 = arith.addi %add3A_280, %scan3A_181 : i32
        %get3A_282 = arith.index_cast %add3A_281 : i32 to index
        %get3A_283 = arith.constant 0 : index
        %get3A_284 = tpu.vector_load %arg8[%get3A_282, %get3A_283] {strides = array<i32>} : memref<800x64xf32, #tpu.memory_space<vmem>>, vector<1x16xf32>,
        %get3A_285 = vector.shape_cast %get3A_284 : vector<1x16xf32> to vector<16xf32>
        %add3A_286 = arith.addf %get3A_285, %get3A_184 : vector<16xf32>
        %swap3A_287 = arith.index_cast %add3A_281 : i32 to index
        %swap3A_288 = arith.constant 0 : index
        %swap3A_289 = tpu.vector_load %arg8[%swap3A_287, %swap3A_288] {strides = array<i32>} : memref<800x64xf32, #tpu.memory_space<vmem>>, vector<1x16xf32>,
        %swap3A_290 = vector.shape_cast %swap3A_289 : vector<1x16xf32> to vector<16xf32>
        %swap3A_291 = vector.shape_cast %add3A_286 : vector<16xf32> to vector<1x16xf32>
        tpu.vector_store %arg8[%swap3A_287, %swap3A_288], %swap3A_291 {strides = array<i32>} : memref<800x64xf32, #tpu.memory_space<vmem>>, vector<1x16xf32>,
        %get3A_292 = arith.index_cast %add3A_281 : i32 to index
        %get3A_293 = arith.constant 16 : index
        %get3A_294 = tpu.vector_load %arg8[%get3A_292, %get3A_293] {strides = array<i32>} : memref<800x64xf32, #tpu.memory_space<vmem>>, vector<1x16xf32>,
        %get3A_295 = vector.shape_cast %get3A_294 : vector<1x16xf32> to vector<16xf32>
        %add3A_296 = arith.addf %get3A_295, %get3A_188 : vector<16xf32>
        %swap3A_297 = arith.index_cast %add3A_281 : i32 to index
        %swap3A_298 = arith.constant 16 : index
        %swap3A_299 = tpu.vector_load %arg8[%swap3A_297, %swap3A_298] {strides = array<i32>} : memref<800x64xf32, #tpu.memory_space<vmem>>, vector<1x16xf32>,
        %swap3A_300 = vector.shape_cast %swap3A_299 : vector<1x16xf32> to vector<16xf32>
        %swap3A_301 = vector.shape_cast %add3A_296 : vector<16xf32> to vector<1x16xf32>
        tpu.vector_store %arg8[%swap3A_297, %swap3A_298], %swap3A_301 {strides = array<i32>} : memref<800x64xf32, #tpu.memory_space<vmem>>, vector<1x16xf32>,
        %get3A_302 = arith.index_cast %add3A_281 : i32 to index
        %get3A_303 = arith.constant 32 : index
        %get3A_304 = tpu.vector_load %arg8[%get3A_302, %get3A_303] {strides = array<i32>} : memref<800x64xf32, #tpu.memory_space<vmem>>, vector<1x16xf32>,
        %get3A_305 = vector.shape_cast %get3A_304 : vector<1x16xf32> to vector<16xf32>
        %add3A_306 = arith.addf %get3A_305, %get3A_192 : vector<16xf32>
        %swap3A_307 = arith.index_cast %add3A_281 : i32 to index
        %swap3A_308 = arith.constant 32 : index
        %swap3A_309 = tpu.vector_load %arg8[%swap3A_307, %swap3A_308] {strides = array<i32>} : memref<800x64xf32, #tpu.memory_space<vmem>>, vector<1x16xf32>,
        %swap3A_310 = vector.shape_cast %swap3A_309 : vector<1x16xf32> to vector<16xf32>
        %swap3A_311 = vector.shape_cast %add3A_306 : vector<16xf32> to vector<1x16xf32>
        tpu.vector_store %arg8[%swap3A_307, %swap3A_308], %swap3A_311 {strides = array<i32>} : memref<800x64xf32, #tpu.memory_space<vmem>>, vector<1x16xf32>,
        %get3A_312 = arith.index_cast %add3A_281 : i32 to index
        %get3A_313 = arith.constant 48 : index
        %get3A_314 = tpu.vector_load %arg8[%get3A_312, %get3A_313] {strides = array<i32>} : memref<800x64xf32, #tpu.memory_space<vmem>>, vector<1x16xf32>,
        %get3A_315 = vector.shape_cast %get3A_314 : vector<1x16xf32> to vector<16xf32>
        %add3A_316 = arith.addf %get3A_315, %get3A_196 : vector<16xf32>
        %swap3A_317 = arith.index_cast %add3A_281 : i32 to index
        %swap3A_318 = arith.constant 48 : index
        %swap3A_319 = tpu.vector_load %arg8[%swap3A_317, %swap3A_318] {strides = array<i32>} : memref<800x64xf32, #tpu.memory_space<vmem>>, vector<1x16xf32>,
        %swap3A_320 = vector.shape_cast %swap3A_319 : vector<1x16xf32> to vector<16xf32>
        %swap3A_321 = vector.shape_cast %add3A_316 : vector<16xf32> to vector<1x16xf32>
        tpu.vector_store %arg8[%swap3A_317, %swap3A_318], %swap3A_321 {strides = array<i32>} : memref<800x64xf32, #tpu.memory_space<vmem>>, vector<1x16xf32>,
        %add3A_322 = arith.constant 600 : i32
        %add3A_323 = arith.addi %add3A_322, %scan3A_181 : i32
        %get3A_324 = arith.index_cast %add3A_323 : i32 to index
        %get3A_325 = arith.constant 0 : index
        %get3A_326 = tpu.vector_load %arg8[%get3A_324, %get3A_325] {strides = array<i32>} : memref<800x64xf32, #tpu.memory_space<vmem>>, vector<1x16xf32>,
        %get3A_327 = vector.shape_cast %get3A_326 : vector<1x16xf32> to vector<16xf32>
        %add3A_328 = arith.addf %get3A_327, %get3A_184 : vector<16xf32>
        %swap3A_329 = arith.index_cast %add3A_323 : i32 to index
        %swap3A_330 = arith.constant 0 : index
        %swap3A_331 = tpu.vector_load %arg8[%swap3A_329, %swap3A_330] {strides = array<i32>} : memref<800x64xf32, #tpu.memory_space<vmem>>, vector<1x16xf32>,
        %swap3A_332 = vector.shape_cast %swap3A_331 : vector<1x16xf32> to vector<16xf32>
        %swap3A_333 = vector.shape_cast %add3A_328 : vector<16xf32> to vector<1x16xf32>
        tpu.vector_store %arg8[%swap3A_329, %swap3A_330], %swap3A_333 {strides = array<i32>} : memref<800x64xf32, #tpu.memory_space<vmem>>, vector<1x16xf32>,
        %get3A_334 = arith.index_cast %add3A_323 : i32 to index
        %get3A_335 = arith.constant 16 : index
        %get3A_336 = tpu.vector_load %arg8[%get3A_334, %get3A_335] {strides = array<i32>} : memref<800x64xf32, #tpu.memory_space<vmem>>, vector<1x16xf32>,
        %get3A_337 = vector.shape_cast %get3A_336 : vector<1x16xf32> to vector<16xf32>
        %add3A_338 = arith.addf %get3A_337, %get3A_188 : vector<16xf32>
        %swap3A_339 = arith.index_cast %add3A_323 : i32 to index
        %swap3A_340 = arith.constant 16 : index
        %swap3A_341 = tpu.vector_load %arg8[%swap3A_339, %swap3A_340] {strides = array<i32>} : memref<800x64xf32, #tpu.memory_space<vmem>>, vector<1x16xf32>,
        %swap3A_342 = vector.shape_cast %swap3A_341 : vector<1x16xf32> to vector<16xf32>
        %swap3A_343 = vector.shape_cast %add3A_338 : vector<16xf32> to vector<1x16xf32>
        tpu.vector_store %arg8[%swap3A_339, %swap3A_340], %swap3A_343 {strides = array<i32>} : memref<800x64xf32, #tpu.memory_space<vmem>>, vector<1x16xf32>,
        %get3A_344 = arith.index_cast %add3A_323 : i32 to index
        %get3A_345 = arith.constant 32 : index
        %get3A_346 = tpu.vector_load %arg8[%get3A_344, %get3A_345] {strides = array<i32>} : memref<800x64xf32, #tpu.memory_space<vmem>>, vector<1x16xf32>,
        %get3A_347 = vector.shape_cast %get3A_346 : vector<1x16xf32> to vector<16xf32>
        %add3A_348 = arith.addf %get3A_347, %get3A_192 : vector<16xf32>
        %swap3A_349 = arith.index_cast %add3A_323 : i32 to index
        %swap3A_350 = arith.constant 32 : index
        %swap3A_351 = tpu.vector_load %arg8[%swap3A_349, %swap3A_350] {strides = array<i32>} : memref<800x64xf32, #tpu.memory_space<vmem>>, vector<1x16xf32>,
        %swap3A_352 = vector.shape_cast %swap3A_351 : vector<1x16xf32> to vector<16xf32>
        %swap3A_353 = vector.shape_cast %add3A_348 : vector<16xf32> to vector<1x16xf32>
        tpu.vector_store %arg8[%swap3A_349, %swap3A_350], %swap3A_353 {strides = array<i32>} : memref<800x64xf32, #tpu.memory_space<vmem>>, vector<1x16xf32>,
        %get3A_354 = arith.index_cast %add3A_323 : i32 to index
        %get3A_355 = arith.constant 48 : index
        %get3A_356 = tpu.vector_load %arg8[%get3A_354, %get3A_355] {strides = array<i32>} : memref<800x64xf32, #tpu.memory_space<vmem>>, vector<1x16xf32>,
        %get3A_357 = vector.shape_cast %get3A_356 : vector<1x16xf32> to vector<16xf32>
        %add3A_358 = arith.addf %get3A_357, %get3A_196 : vector<16xf32>
        %swap3A_359 = arith.index_cast %add3A_323 : i32 to index
        %swap3A_360 = arith.constant 48 : index
        %swap3A_361 = tpu.vector_load %arg8[%swap3A_359, %swap3A_360] {strides = array<i32>} : memref<800x64xf32, #tpu.memory_space<vmem>>, vector<1x16xf32>,
        %swap3A_362 = vector.shape_cast %swap3A_361 : vector<1x16xf32> to vector<16xf32>
        %swap3A_363 = vector.shape_cast %add3A_358 : vector<16xf32> to vector<1x16xf32>
        tpu.vector_store %arg8[%swap3A_359, %swap3A_360], %swap3A_363 {strides = array<i32>} : memref<800x64xf32, #tpu.memory_space<vmem>>, vector<1x16xf32>,
      }
      %scan3A_175 = arith.constant 200 : i32
      %mul3A_176 = arith.constant 32 : i32
      %mul3A_177 = arith.muli %add3A, %mul3A_176 : i32
      %add3A_178 = arith.addi %mul3A_177, %scan3A_6 : i32
      %mul3A_179 = arith.constant 800 : i32
      %mul3A_180 = arith.muli %add3A_178, %mul3A_179 : i32
      "tpu.region"() ({
        %run_scoped3A = tpu.sem_alloc : memref<!tpu.dma_semaphore, #tpu.memory_space<semaphore_mem>>
        %dma_start3A_181 = arith.constant 0 : i32
        %dma_start3A_182 = tpu.memref_slice %arg5[%mul3A_180, %dma_start3A_181] : memref<819200x64xf32, #tpu.memory_space<hbm>> -> memref<800x64xf32, #tpu.memory_space<hbm>>
        %dma_start3A_183 = arith.constant 0 : i32
        %dma_start3A_184 = tpu.memref_slice %arg5[%mul3A_180, %dma_start3A_183] : memref<819200x64xf32, #tpu.memory_space<hbm>> -> memref<800x64xf32, #tpu.memory_space<hbm>>
        tpu.enqueue_dma source(%arg8 : memref<800x64xf32, #tpu.memory_space<vmem>>) target(%dma_start3A_184 : memref<800x64xf32, #tpu.memory_space<hbm>>) target_semaphore(%run_scoped3A : memref<!tpu.dma_semaphore, #tpu.memory_space<semaphore_mem>>)
        %dma_wait3A_185 = arith.constant 0 : i32
        %dma_wait3A_186 = tpu.memref_slice %arg5[%mul3A_180, %dma_wait3A_185] : memref<819200x64xf32, #tpu.memory_space<hbm>> -> memref<800x64xf32, #tpu.memory_space<hbm>>
        %dma_wait3A_187 = arith.constant 0 : i32
        %dma_wait3A_188 = tpu.memref_slice %arg5[%mul3A_180, %dma_wait3A_187] : memref<819200x64xf32, #tpu.memory_space<hbm>> -> memref<800x64xf32, #tpu.memory_space<hbm>>
        tpu.wait_dma2 semaphore(%run_scoped3A : memref<!tpu.dma_semaphore, #tpu.memory_space<semaphore_mem>>) src(%arg8 : memref<800x64xf32, #tpu.memory_space<vmem>>) dst(%dma_wait3A_188 : memref<800x64xf32, #tpu.memory_space<hbm>>)
        tpu.yield
      }) : () -> ()
    }
    %scan3A_5 = arith.constant 32 : i32
    return
  }
}

</mosaic_0001>

<sc_bundles>
// kernel: kernel.3.cloned.1.call-start
scs
__scs_entry_jumppad:
0x0: {  	(pc) =	sbr.rel $0x88, $3  }
0x1: {  	(tag) =	ssettag $0x0;
	lr =	simm.s32 $0x1  }
0x2: {  	[smem:$0x3F9E] =	sst lr;
	_ =	strace $0xD0000000  }
0x3: {  	_ = 	snop  }
0x4: {  	_ = 	snop  }
0x5: {  	_ = 	snop  }
0x6: {  	_ = 	snop  }
0x7: {  	_ = 	snop  }
__scs_overlays_trampoline_lowered:
0x8: {  	[smem:$0x3FAD] =	sst s0  }
0x9: {  	[smem:$0x3FAE] =	sst s1  }
0xa: {  	[smem:$0x3FAF] =	sst s2  }
0xb: {  	[smem:$0x3FB0] =	sst s3  }
0xc: {  	[smem:$0x3FB1] =	sst s4  }
0xd: {  	[smem:$0x3FB2] =	sst s5  }
0xe: {  	[smem:$0x3FB3] =	sst s6  }
0xf: {  	[smem:$0x3FB4] =	sst s7  }
0x10: {  	[smem:$0x3FB5] =	sst s8  }
0x11: {  	[smem:$0x3FB6] =	sst s9;
	s0 =	simm.s32 @!p0 $0x0  }
0x12: {  	s1 =	sld [smem:$0x3F9C];
	s0 =	simm.s32 @p0 $0x1  }
0x13: {  	[smem:$0x3FB7] =	sst s0;
	s0 =	simm.s32 @!p1 $0x0  }
0x14: {  	s2 =	sld [smem:$0x3F9B];
	s0 =	simm.s32 @p1 $0x1  }
0x15: {  	[smem:$0x3FB8] =	sst s0;
	s0 =	simm.s32 @!p2 $0x0  }
0x16: {  	s3 =	sld [smem:$0x3FDB];
	s0 =	simm.s32 @p2 $0x1  }
0x17: {  	s4 =	simm.s32 $0x1BF5;
	[smem:$0x3FBA] =	sst s0  }
0x18: {  	s0 =	sld [smem:$0x3F9D];
	_ =	swait.ge [sflag:s4], $0x0  }
0x19: {  	s7 =	sld [smem:$0x3F9E]  }
0x1a: {  	s8 =	sadd.s32 $0xFFFFE003, lr  }
0x1b: {  	s9 =	sadd.s32 $0xFFFFFEF7, lr;
	s5 =	simm.s32 $0xFFFFFFFF;
	p2 =	slt.u32 s8, $0xFFFFF086  }
0x1c: {  	p1 =	slt.u32 s9, $0xF7A;
	s5 =	simm.s32 @!p2 $0x0  }
0x1d: {  	s5 =	simm.s32 @p1 $0x1;
	p0 =	seq.s32 s7, s2  }
0x1e: {  	s7 =	smul.u32 @!p0 $0xF7A, s2;
	p2 =	seq.s32 @!p0 s5, $0x0  }
0x1f: {  	s9 =	smul.u32 $0xF7A, s1;
	s8 =	simm.s32 @!p0 $0x1BF5;
	p2 =	por !p2, p0  }
0x20: {  	[sflag:s8] =	ssyncset.s32 @!p0 $0xFFFFF086;
	s6 =	sadd.s32 @!p0 s3, s7;
	s7 =	simm.s32 @!p0 $0x108  }
0x21: {  	s3 =	sadd.s32 s3, s9;
	s6 =	sadd.s32 @!p0 $0x88, s6;
	s7 =	simm.s32 @p2 $0x1082  }
0x22: {  	[simem:s7], [sflag:s8] =	dma.local @!p0 [hbm:s6], $0xF7A  }
0x23: {  	s9 =	sor.u32 $0xD0000000, s2;
	s6 =	simm.s32 $0x108;
	_ =	swait.ge @!p0 [sflag:s8], $0x0  }
0x24: {  	s3 =	sadd.s32 $0x88, s3;
	s6 =	simm.s32 @!p1 $0x1082;
	[sflag:s4] =	ssyncset.s32 $0xFFFFF086  }
0x25: {  	[simem:s6], [sflag:s4] =	dma.local [hbm:s3], $0xF7A  }
0x26: {  	[smem:$0x3F9E] =	sst s1;
	(tag) =	ssettag s2;
	_ =	strace s9  }
0x27: {  	s1 =	sld [smem:$0x3FAE]  }
0x28: {  	s2 =	sld [smem:$0x3FAF]  }
0x29: {  	s4 =	sld [smem:$0x3FB1]  }
0x2a: {  	p0 =	seq.s32 s5, $0x0;
	s5 =	sld [smem:$0x3FB2]  }
0x2b: {  	s6 =	sld [smem:$0x3FB3]  }
0x2c: {  	s7 =	sld [smem:$0x3FB4]  }
0x2d: {  	s3 =	simm.s32 $0x108;
	s8 =	sld [smem:$0x3FB5]  }
0x2e: {  	s3 =	simm.s32 @!p0 $0x1082;
	s9 =	sld [smem:$0x3FB6]  }
0x2f: {  	lr =	sadd.s32 s0, s3;
	s0 =	sld [smem:$0x3FAD]  }
0x30: {  	s3 =	sld [smem:$0x3FB0]  }
0x31: {  	[smem:$0x3FB9] =	sst s10  }
0x32: {  	s10 =	sld [smem:$0x3FB7];
	_ =	sdelay $0x3  }
0x33: {  	p0 =	seq.s32 s10, $0x1;
	s10 =	sld [smem:$0x3FB9];
	_ =	sdelay $0x3  }
0x34: {  	[smem:$0x3FB9] =	sst s10  }
0x35: {  	s10 =	sld [smem:$0x3FB8];
	_ =	sdelay $0x3  }
0x36: {  	p1 =	seq.s32 s10, $0x1;
	s10 =	sld [smem:$0x3FB9];
	_ =	sdelay $0x3  }
0x37: {  	[smem:$0x3FB9] =	sst s10  }
0x38: {  	s10 =	sld [smem:$0x3FBA]  }
0x39: {  	_ = 	snop;
	(pc) =	sbr.ind lr, $3  }
0x3a: {  	_ = 	snop  }
0x3b: {  	_ = 	snop  }
0x3c: {  	p2 =	seq.s32 s10, $0x1;
	s10 =	sld [smem:$0x3FB9]  }
0x3d: {  	_ =	shalt  }
0x3e: {  	_ =	shalt  }
0x3f: {  	_ =	shalt  }
0x40: {  	_ =	shalt  }
0x41: {  	_ =	shalt  }
0x42: {  	_ =	shalt  }
0x43: {  	_ =	shalt  }
0x44: {  	_ =	shalt  }
0x45: {  	_ =	shalt  }
0x46: {  	_ =	shalt  }
0x47: {  	_ =	shalt  }
0x48: {  	_ =	shalt  }
0x49: {  	_ =	shalt  }
0x4a: {  	_ =	shalt  }
0x4b: {  	_ =	shalt  }
0x4c: {  	_ =	shalt  }
0x4d: {  	_ =	shalt  }
0x4e: {  	_ =	shalt  }
0x4f: {  	_ =	shalt  }
0x50: {  	_ =	shalt  }
0x51: {  	_ =	shalt  }
0x52: {  	_ =	shalt  }
0x53: {  	_ =	shalt  }
0x54: {  	_ =	shalt  }
0x55: {  	_ =	shalt  }
0x56: {  	_ =	shalt  }
0x57: {  	_ =	shalt  }
0x58: {  	_ =	shalt  }
0x59: {  	_ =	shalt  }
0x5a: {  	_ =	shalt  }
0x5b: {  	_ =	shalt  }
0x5c: {  	_ =	shalt  }
0x5d: {  	_ =	shalt  }
0x5e: {  	_ =	shalt  }
0x5f: {  	_ =	shalt  }
0x60: {  	_ =	shalt  }
0x61: {  	_ =	shalt  }
0x62: {  	_ =	shalt  }
0x63: {  	_ =	shalt  }
0x64: {  	_ =	shalt  }
0x65: {  	_ =	shalt  }
0x66: {  	_ =	shalt  }
0x67: {  	_ =	shalt  }
0x68: {  	_ =	shalt  }
0x69: {  	_ =	shalt  }
0x6a: {  	_ =	shalt  }
0x6b: {  	_ =	shalt  }
0x6c: {  	_ =	shalt  }
0x6d: {  	_ =	shalt  }
0x6e: {  	_ =	shalt  }
0x6f: {  	_ =	shalt  }
0x70: {  	_ =	shalt  }
0x71: {  	_ =	shalt  }
0x72: {  	_ =	shalt  }
0x73: {  	_ =	shalt  }
0x74: {  	_ =	shalt  }
0x75: {  	_ =	shalt  }
0x76: {  	_ =	shalt  }
0x77: {  	_ =	shalt  }
0x78: {  	_ =	shalt  }
0x79: {  	_ =	shalt  }
0x7a: {  	_ =	shalt  }
0x7b: {  	_ =	shalt  }
0x7c: {  	_ =	shalt  }
0x7d: {  	_ =	shalt  }
0x7e: {  	_ =	shalt  }
0x7f: {  	_ =	shalt  }
0x80: {  	_ =	shalt  }
0x81: {  	_ =	shalt  }
0x82: {  	_ =	shalt  }
0x83: {  	_ =	shalt  }
0x84: {  	_ =	shalt  }
0x85: {  	_ =	shalt  }
0x86: {  	_ =	shalt  }
0x87: {  	_ =	shalt  }
.Lfunc_end0:
.L_simem_size_0:
called_computation.1_lowered:
.L_overlay_start_0:
0x88: {  	s2 =	sld [smem:$0x3FD9]  }
0x89: {  	s3 =	sld [smem:$0x3FFE];
	_ =	sdelay $0x1  }
0x8a: {  	s1 =	srdreg.scid  }
0x8b: {  	s0 =	sand.u32 $0x1, s1  }
0x8c: {  	s17 =	sshll.u32 s0, $0xA;
	s2 =	sadd.s32 s3, s2  }
0x8d: {  	s2 =	sadd.s32 s2, s17  }
0x8e: {  	[smem:$0x3FC5] =	sst s2  }
0x8f: {  	_ = 	snop  }
0x90: {  	s2 =	sld [smem:$0x3FD0];
	(tm) =	ssettm $0x1  }
0x91: {  	s18 =	sld [smem:$0x3FFB];
	_ =	sdelay $0x3  }
0x92: {  	_ =	strace s18  }
0x93: {  	s3 =	sld [smem:$0x3FFC];
	_ =	sdelay $0x3  }
0x94: {  	_ =	strace s3  }
0x95: {  	s3 =	sld [smem:$0x3FFD];
	_ =	sdelay $0x3  }
0x96: {  	_ =	strace s3  }
0x97: {  	_ =	strace $0x8FFFFFFF  }
0x98: {  	s19 =	sld [smem:$0x3FDB];
	_ =	sdelay $0x1  }
0x99: {  	s4 =	simm.s32 $_scs_section_size  }
0x9a: {  	s5 =	simm.s32 $_size__tile_overlayer_lowered;
	s6 =	simm.s32 $_tile_overlayer_lowered  }
0x9b: {  	s22 =	simm.s32 $0x1BFF;
	s21 =	sshll.u32 s6, $0x1;
	s3 =	sadd.s32 s4, s19  }
0x9c: {  	s7 =	simm.s32 $0x0;
	s20 =	sshll.u32 s5, $0x1;
	s5 =	sadd.s32 s21, s3  }
0x9d: {  	[timem:s7], [sflag:s22] =	dma.local [hbm:s5], s20  }
0x9e: {  	_ =	swait.ge [sflag:s22], s20  }
0x9f: {  	s4 =	ssub.s32 $0x0, s20;
	[sflag:s22] =	ssyncset.done $0x0  }
0xa0: {  	[sflag:s22] =	ssyncadd.s32 s4;
	_ =	sdelay $0x1  }
0xa1: {  	s23 =	simm.s32 $0x1B8B  }
0xa2: {  	_ =	swait.ge [sflag:s23], $0x1  }
0xa3: {  	[sflag:s23] =	ssyncset.done $0x0  }
0xa4: {  	s25 =	simm.s32 $0x1B8E;
	s24 =	sld [smem:$0x3FFE];
	[sflag:s23] =	ssyncadd.s32 $0xFFFFFFFF  }
0xa5: {  	s26 =	simm.s32 $execute0_lowered;
	[smem:$0x3FD2] =	sst s25  }
0xa6: {  	s5 =	sshll.u32 s26, $0x1;
	_ =	strace $0x80000046;
	[dreg:$0x1] =	wrdreg $0xFFFFFFFF  }
0xa7: {  	s28 =	simm.s32 $_size_execute0_lowered;
	s3 =	sadd.s32 s3, s5;
	[dreg:$0x0] =	wrdreg $0x0  }
0xa8: {  	s5 =	sshll.u32 s28, $0x1;
	[dreg:$0x2] =	wrdreg s3  }
0xa9: {  	[dreg:$0x3] =	wrdreg s5  }
0xaa: {  	[dreg:$0x4] =	wrdreg $0xC0  }
0xab: {  	_ =	task [dreg:s7], $0x5FFFF  }
0xac: {  	[dreg:$0x1] =	wrdreg $0xFFFFFFFF  }
0xad: {  	[dreg:$0x0] =	wrdreg $0x60  }
0xae: {  	[dreg:$0x2] =	wrdreg s24  }
0xaf: {  	[dreg:$0x3] =	wrdreg s2  }
0xb0: {  	[dreg:$0x4] =	wrdreg $0x9  }
0xb1: {  	_ =	task.clear_ibuf [dreg:s7], $0x5FFFF;
	_ =	strace $0x90000046  }
0xb2: {  	s29 =	simm.s32 $0x9;
	_ =	strace $0x80000048  }
0xb3: {  	_ =	swait.ge [sflag:s29], $0x1  }
0xb4: {  	[sflag:s29] =	ssyncadd.s32 $0xFFFFFFFF  }
0xb5: {  	_ =	strace $0x90000048  }
0xb6: {  	_ =	sfence  }
0xb7: {  	s30 =	sld [smem:$0x0];
	_ =	sdelay $0x2  }
0xb8: {  	s31 =	sshll.u32 s1, $0xD;
	s1 =	sshrl.u32 s1, $0x2  }
0xb9: {  	s3 =	sand.u32 $0x4000, s31;
	s1 =	sadd.s32 s1, s30  }
0xba: {  	s0 =	sor.u32 s3, s0;
	s1 =	sshll.u32 s1, $0x11  }
0xbb: {  	s0 =	sor.u32 s1, s0  }
0xbc: {  	s0 =	sadd.s32 $0x8F2B, s0  }
0xbd: {  	[sflag:s0] =	ssyncadd.remote.s32 $0x1  }
0xbe: {  	_ =	sfence.sel $0xFFFF  }
0xbf: {  	[dreg:$0x0] =	wrdreg $0xFFFFFFFF;
	(pc) =	sbr.abs _section_cstart, $3  }
0xc0: {  	[dreg:$0x1] =	wrdreg $0xFFFFFFFF  }
0xc1: {  	_ =	task.clear_ibuf [dreg:s7], $0x2FFFF;
	_ =	strace $0x9FFFFFFF  }
0xc2: {  	(tm) =	ssettm $0x7FFFFFFF  }
0xc3: {  	_ =	shalt  }
tec
execute0_lowered:
.L_overlay_start_1:
0x0: {  	(tag) =	ssettag $0x1  }
0x1: {  	s0 =	rddreg [dreg:$0x0]  }
0x2: {  	s1 =	rddreg [dreg:$0x1];
	s2 =	simm.s32 $0x0;
	s3 =	srdreg.scid  }
0x3: {  	s6 =	stileid.u32;
	s10 =	simm.s32 $0x2;
	s11 =	simm.s32 $0x3200  }
0x4: {  	s12 =	simm.s32 $0x64;
	s13 =	simm.s32 $0x3540;
	s14 =	simm.s32 $0x3268  }
0x5: {  	s15 =	simm.s32 $0x4E40;
	s16 =	simm.s32 $0x32D0;
	s17 =	simm.s32 $0x6740  }
0x6: {  	s18 =	simm.s32 $0x3338;
	s19 =	simm.s32 $0x8040;
	s20 =	simm.s32 $0x33A0  }
0x7: {  	s21 =	simm.s32 $0x9940;
	s22 =	simm.s32 $0x3408;
	s23 =	simm.s32 $0xB240  }
0x8: {  	s24 =	simm.s32 $0x3470;
	s25 =	simm.s32 $0xCB40;
	s26 =	simm.s32 $0x34D8  }
0x9: {  	s28 =	simm.s32 $0xE440;
	s29 =	simm.s32 $0x1;
	s30 =	simm.s32 $0x0  }
0xa: {  	[smem:$0x7FF] =	sst s2;
	s4 =	sadd.s32 $0x1B200, s0;
	s3 =	sand.u32 $0x1, s3  }
0xb: {  	s5 =	sadd.s32 $0x1200, s0;
	s8 =	sshll.u32 s6, $0x1;
	s7 =	ssub.s32 $0x2, s3  }
0xc: {  	s0 =	sadd.s32 $0xA00, s0;
	_ =	strace $0x80000047;
	s31 =	sshrl.u32 s7, $0x1  }
0xd: {  	[dreg:$0x3] =	wrdreg s0;
	s3 =	sor.u32 s3, s8;
	s0 =	ssub.s32 s7, s31  }
0xe: {  	s8 =	sshll.u32 s3, $0x5;
	s7 =	sshll.u32 s3, $0x8;
	s9 =	smax.u32 s0, $0x1  }
.LBB2_1:
0xf: {  	s0 =	rddreg [dreg:$0x3]  }
0x10: {  	[tilespmem:s2], [sflag:$0x2] =	stream.linear.gather [hbm4b:s0+s2], $0x3200, $0x38;
	[tilespmem:$0xFD40] =	vst v63  }
0x11: {  	_ =	swait.ge [sflag:s10], $0x3200  }
0x12: {  	[sflag:s10] =	ssyncset.done $0x0  }
0x13: {  	s31 =	simm.s32 $0x0;
	[sflag:s10] =	ssyncadd.s32 $0xFFFFCE00  }
.LBB2_2:
0x14: {  	s0 =	sshll.u32 s31, $0x3  }
0x15: {  	s0 =	sadd.s32 s7, s0  }
0x16: {  	s0 =	smul.u32 $0xD, s0;
	_ =	sdelay $0x1  }
0x17: {  	s3 =	simm.s32 $0x0;
	s0 =	sadd.s32 s5, s0  }
0x18: {  	[tilespmem:s11], [sflag:$0x2] =	stream.linear.gather [hbm4b:s0+s3], $0x340, $0x38;
	[tilespmem:$0xFD40] =	vst v63  }
0x19: {  	_ =	swait.ge [sflag:s10], $0x340  }
0x1a: {  	[sflag:s10] =	ssyncset.done $0x0  }
0x1b: {  	[sflag:s10] =	ssyncadd.s32 $0xFFFFFCC0  }
0x1c: {  	[tilespmem:s13], [sflag:$0x1] =	stream.indirect.gather [hbm4b:s4+s12], $0x40, s11, s12, $0xb8;
	[tilespmem:$0xFD40] =	vst v63  }
0x1d: {  	_ = 	snop  }
0x1e: {  	[tilespmem:s15], [sflag:$0x1] =	stream.indirect.gather [hbm4b:s4+s12], $0x40, s14, s12, $0xb8;
	[tilespmem:$0xFD40] =	vst v63  }
0x1f: {  	_ = 	snop  }
0x20: {  	[tilespmem:s17], [sflag:$0x1] =	stream.indirect.gather [hbm4b:s4+s12], $0x40, s16, s12, $0xb8;
	[tilespmem:$0xFD40] =	vst v63  }
0x21: {  	_ = 	snop  }
0x22: {  	[tilespmem:s19], [sflag:$0x1] =	stream.indirect.gather [hbm4b:s4+s12], $0x40, s18, s12, $0xb8;
	[tilespmem:$0xFD40] =	vst v63  }
0x23: {  	_ = 	snop  }
0x24: {  	[tilespmem:s21], [sflag:$0x1] =	stream.indirect.gather [hbm4b:s4+s12], $0x40, s20, s12, $0xb8;
	[tilespmem:$0xFD40] =	vst v63  }
0x25: {  	_ = 	snop  }
0x26: {  	[tilespmem:s23], [sflag:$0x1] =	stream.indirect.gather [hbm4b:s4+s12], $0x40, s22, s12, $0xb8;
	[tilespmem:$0xFD40] =	vst v63  }
0x27: {  	_ = 	snop  }
0x28: {  	[tilespmem:s25], [sflag:$0x1] =	stream.indirect.gather [hbm4b:s4+s12], $0x40, s24, s12, $0xb8;
	[tilespmem:$0xFD40] =	vst v63  }
0x29: {  	_ = 	snop  }
0x2a: {  	[tilespmem:s28], [sflag:$0x1] =	stream.indirect.gather [hbm4b:s4+s12], $0x40, s26, s12, $0xb8;
	[tilespmem:$0xFD40] =	vst v63  }
0x2b: {  	_ =	swait.ge [sflag:s29], $0x1900  }
0x2c: {  	[sflag:s29] =	ssyncset.done $0x0  }
0x2d: {  	[sflag:s29] =	ssyncadd.s32 $0xFFFFE700  }
0x2e: {  	_ =	swait.ge [sflag:s29], $0x1900  }
0x2f: {  	[sflag:s29] =	ssyncset.done $0x0  }
0x30: {  	[sflag:s29] =	ssyncadd.s32 $0xFFFFE700  }
0x31: {  	_ =	swait.ge [sflag:s29], $0x1900  }
0x32: {  	[sflag:s29] =	ssyncset.done $0x0  }
0x33: {  	[sflag:s29] =	ssyncadd.s32 $0xFFFFE700  }
0x34: {  	_ =	swait.ge [sflag:s29], $0x1900  }
0x35: {  	[sflag:s29] =	ssyncset.done $0x0  }
0x36: {  	[sflag:s29] =	ssyncadd.s32 $0xFFFFE700  }
0x37: {  	_ =	swait.ge [sflag:s29], $0x1900  }
0x38: {  	[sflag:s29] =	ssyncset.done $0x0  }
0x39: {  	[sflag:s29] =	ssyncadd.s32 $0xFFFFE700  }
0x3a: {  	_ =	swait.ge [sflag:s29], $0x1900  }
0x3b: {  	[sflag:s29] =	ssyncset.done $0x0  }
0x3c: {  	[sflag:s29] =	ssyncadd.s32 $0xFFFFE700  }
0x3d: {  	_ =	swait.ge [sflag:s29], $0x1900  }
0x3e: {  	[sflag:s29] =	ssyncset.done $0x0  }
0x3f: {  	[sflag:s29] =	ssyncadd.s32 $0xFFFFE700  }
0x40: {  	_ =	swait.ge [sflag:s29], $0x1900  }
0x41: {  	[sflag:s29] =	ssyncset.done $0x0  }
0x42: {  	s0 =	simm.s32 $0x0;
	[sflag:s29] =	ssyncadd.s32 $0xFFFFE700  }
0x43: {  	v3 =	vld [tilespmem:s0+$0x0]  }
0x44: {  	v2 =	vld [tilespmem:s0+$0x10]  }
0x45: {  	v1 =	vld [tilespmem:s0+$0x20]  }
0x46: {  	v0 =	vld [tilespmem:s0+$0x30]  }
0x47: {  	v4 =	vld [tilespmem:s0+$0x3540]  }
0x48: {  	v5 =	vld [tilespmem:s0+$0x3550]  }
0x49: {  	v6 =	vld [tilespmem:s0+$0x3560]  }
0x4a: {  	v7 =	vld [tilespmem:s0+$0x3570]  }
0x4b: {  	v8 =	vld [tilespmem:s0+$0x6740]  }
0x4c: {  	v9 =	vld [tilespmem:s0+$0x6750];
	v4 =	vadd.f32 v4, v3  }
0x4d: {  	v10 =	vld [tilespmem:s0+$0x6760];
	v5 =	vadd.f32 v5, v2  }
0x4e: {  	v11 =	vld [tilespmem:s0+$0x6770];
	[tilespmem:s0+$0x3540] =	vst v4;
	v4 =	vadd.f32 v6, v1  }
0x4f: {  	v12 =	vld [tilespmem:s0+$0x9940];
	[tilespmem:s0+$0x3550] =	vst v5;
	v5 =	vadd.f32 v7, v0  }
0x50: {  	v13 =	vld [tilespmem:s0+$0x9950];
	[tilespmem:s0+$0x3560] =	vst v4;
	v4 =	vadd.f32 v8, v3  }
0x51: {  	v6 =	vadd.f32 v9, v2;
	[tilespmem:s0+$0x3570] =	vst v5;
	v5 =	vld [tilespmem:s0+$0x9960]  }
0x52: {  	v7 =	vadd.f32 v10, v1;
	[tilespmem:s0+$0x6740] =	vst v4;
	v4 =	vld [tilespmem:s0+$0x9970]  }
0x53: {  	[tilespmem:s0+$0x6750] =	vst v6;
	v6 =	vld [tilespmem:s0+$0xCB40];
	v8 =	vadd.f32 v11, v0  }
0x54: {  	v10 =	vadd.f32 v12, v3;
	[tilespmem:s0+$0x6760] =	vst v7;
	v7 =	vld [tilespmem:s0+$0xCB50]  }
0x55: {  	s3 =	simm.s32 $0x100;
	v9 =	vadd.f32 v13, v2;
	[tilespmem:s0+$0x6770] =	vst v8;
	v8 =	vld [tilespmem:s0+$0xCB60]  }
.LBB2_3:
0x56: {  	s6 =	sshra.s32 s3, $0x2;
	p0 =	sne.s32 s3, $0xC700;
	[tilespmem:s0+$0x9940] =	vst v10;
	v5 =	vadd.f32 v5, v1;
	v10 =	vld [tilespmem:s0+$0xCB70]  }
0x57: {  	v11 =	vld [tilespmem:s6+$0x0];
	[tilespmem:s0+$0x9950] =	vst v9;
	v4 =	vadd.f32 v4, v0  }
0x58: {  	v9 =	vld [tilespmem:s6+$0x10];
	[tilespmem:s0+$0x9960] =	vst v5;
	v3 =	vadd.f32 v6, v3  }
0x59: {  	v5 =	vld [tilespmem:s6+$0x20];
	[tilespmem:s0+$0x9970] =	vst v4;
	v2 =	vadd.f32 v7, v2  }
0x5a: {  	v4 =	vld [tilespmem:s6+$0x30];
	[tilespmem:s0+$0xCB40] =	vst v3;
	v1 =	vadd.f32 v8, v1  }
0x5b: {  	v6 =	vld [tilespmem:s6+$0x3540];
	[tilespmem:s0+$0xCB50] =	vst v2;
	v0 =	vadd.f32 v10, v0  }
0x5c: {  	v7 =	vld [tilespmem:s6+$0x3550];
	[tilespmem:s0+$0xCB60] =	vst v1;
	v3 =	vmov v11  }
0x5d: {  	v8 =	vld [tilespmem:s6+$0x3560];
	[tilespmem:s0+$0xCB70] =	vst v0;
	v2 =	vmov v9;
	s0 =	smov.u32 s6  }
0x5e: {  	v9 =	vld [tilespmem:s0+$0x3570];
	v1 =	vmov v5  }
0x5f: {  	v5 =	vld [tilespmem:s0+$0x6740];
	v0 =	vmov v4  }
0x60: {  	v4 =	vadd.f32 v6, v3;
	v6 =	vld [tilespmem:s0+$0x6750]  }
0x61: {  	v7 =	vadd.f32 v7, v2;
	v10 =	vld [tilespmem:s0+$0x6760]  }
0x62: {  	[tilespmem:s0+$0x3540] =	vst v4;
	v4 =	vadd.f32 v8, v1;
	v8 =	vld [tilespmem:s0+$0x6770]  }
0x63: {  	[tilespmem:s0+$0x3550] =	vst v7;
	v7 =	vadd.f32 v9, v0;
	v9 =	vld [tilespmem:s0+$0x9940]  }
0x64: {  	[tilespmem:s0+$0x3560] =	vst v4;
	v4 =	vadd.f32 v5, v3;
	v11 =	vld [tilespmem:s0+$0x9950]  }
.Ltmp0:
0x65: {  	[tilespmem:s0+$0x3570] =	vst v7;
	v6 =	vadd.f32 v6, v2;
	v5 =	vld [tilespmem:s0+$0x9960];
	(pc) =	sbr.rel @p0 .LBB2_3-.Ltmp0, $4  }
0x66: {  	[tilespmem:s0+$0x6740] =	vst v4;
	v7 =	vadd.f32 v10, v1;
	v4 =	vld [tilespmem:s0+$0x9970]  }
0x67: {  	[tilespmem:s0+$0x6750] =	vst v6;
	v8 =	vadd.f32 v8, v0;
	v6 =	vld [tilespmem:s0+$0xCB40]  }
0x68: {  	[tilespmem:s0+$0x6760] =	vst v7;
	v10 =	vadd.f32 v9, v3;
	v7 =	vld [tilespmem:s0+$0xCB50]  }
0x69: {  	s3 =	sadd.s32 $0x100, s3;
	[tilespmem:s0+$0x6770] =	vst v8;
	v9 =	vadd.f32 v11, v2;
	v8 =	vld [tilespmem:s0+$0xCB60]  }
0x6a: {  	[tilespmem:s0+$0x9940] =	vst v10;
	v5 =	vadd.f32 v5, v1;
	v61 =	vld [tilespmem:s0+$0xCB70]  }
0x6b: {  	[tilespmem:s0+$0x9950] =	vst v9;
	v4 =	vadd.f32 v4, v0  }
0x6c: {  	[tilespmem:s0+$0x9960] =	vst v5;
	v3 =	vadd.f32 v6, v3  }
0x6d: {  	[tilespmem:s0+$0x9970] =	vst v4;
	v2 =	vadd.f32 v7, v2  }
0x6e: {  	s3 =	sadd.s32 s8, s31;
	[tilespmem:s0+$0xCB40] =	vst v3;
	v62 =	vadd.f32 v8, v1  }
0x6f: {  	s31 =	sadd.s32 $0x1, s31;
	s3 =	smul.u32 $0x1900, s3;
	[tilespmem:s0+$0xCB50] =	vst v2;
	v63 =	vadd.f32 v61, v0  }
0x70: {  	p0 =	sne.s32 s31, $0x20;
	[tilespmem:s0+$0xCB60] =	vst v62  }
.Ltmp1:
0x71: {  	s6 =	sadd.s32 s1, s3;
	[tilespmem:s0+$0xCB70] =	vst v63;
	(pc) =	sbr.rel @p0 .LBB2_2-.Ltmp1, $4  }
0x72: {  	[hbm4b:s6+s2] =	stream.linear.scatter [tilespmem:s13], [sflag:$0x2], $0xC800, $0x38;
	[tilespmem:$0xFD40] =	vst v63  }
0x73: {  	_ =	swait.ge [sflag:s10], $0xC800  }
0x74: {  	[sflag:s10] =	ssyncset.done $0x0  }
0x75: {  	[sflag:s10] =	ssyncadd.s32 $0xFFFF3800  }
0x76: {  	s30 =	sadd.s32 $0x1, s30  }
0x77: {  	p0 =	sne.s32 s30, s9  }
.Ltmp2:
0x78: {  	_ = 	snop;
	(pc) =	sbr.rel @p0 .LBB2_1-.Ltmp2, $1  }
0x79: {  	_ =	sdelay $0x3  }
0x7a: {  	_ =	sfence.sel $0x180000  }
0x7b: {  	[bflag:$0x0] =	sbarrier.arrive $0xFFFF  }
0x7c: {  	_ =	strace $0x90000047  }
0x7d: {  	s0 =	stileid.u32;
	[bflag:$0x2] =	sbarrier.arrive $0xFFFF  }
0x7e: {  	p0 =	sne.s32 s0, $0x0;
	s0 =	rddreg [dreg:$0x2]  }
0x7f: {  	s0 =	sadd.s32 @!p0 $0x100000, s0  }
0x80: {  	[sflag:s0] =	ssyncadd.tile.s32 @!p0 $0x1;
	_ =	shalt  }
.Lfunc_end2:
_tile_overlayer_lowered:
.L_overlay_start_2:
0x81: {  	(tag) =	ssettag $0x2  }
0x82: {  	s0 =	rddreg [dreg:$0x0];
	s2 =	stileid.u32  }
0x83: {  	s1 =	rddreg [dreg:$0x1];
	p0 =	sne.s32 s2, $0x0  }
0x84: {  	s3 =	rddreg [dreg:$0x2];
	[bflag:$0x3] =	sbarrier.arrive $0xFFFF;
	s2 =	simm.s32 @!p0 $0x1C02  }
0x85: {  	[timem:s3], [sflag:s2] =	dma.local @!p0 [hbm:s0], s1  }
0x86: {  	s0 =	simm.s32 @!p0 $0x2  }
0x87: {  	_ =	swait.ge @!p0 [sflag:s0], s1  }
0x88: {  	s1 =	ssub.s32 @!p0 $0x0, s1;
	[sflag:s0] =	ssyncset.done @!p0 $0x0  }
0x89: {  	[sflag:s0] =	ssyncadd.s32 @!p0 s1  }
0x8a: {  	[bflag:$0x3] =	sbarrier.arrive $0xFFFF  }
0x8b: {  	_ =	shalt  }

// kernel: sparse-core-data-format-call.cloned.1.call-start
scs
called_computation_lowered:
.L_overlay_start_0:
0x0: {  	s2 =	sld [smem:$0x3FD9]  }
0x1: {  	s3 =	sld [smem:$0x3FFE];
	_ =	sdelay $0x1  }
0x2: {  	s1 =	srdreg.scid  }
0x3: {  	s0 =	sand.u32 $0x1, s1  }
0x4: {  	s18 =	sshll.u32 s0, $0xA;
	s2 =	sadd.s32 s3, s2  }
0x5: {  	s2 =	sadd.s32 s2, s18  }
0x6: {  	[smem:$0x3FC5] =	sst s2  }
0x7: {  	_ = 	snop  }
0x8: {  	s2 =	sld [smem:$0x3FD0];
	(tm) =	ssettm $0x1  }
0x9: {  	s19 =	sld [smem:$0x3FFB];
	_ =	sdelay $0x3  }
0xa: {  	_ =	strace s19  }
0xb: {  	s3 =	sld [smem:$0x3FFC];
	_ =	sdelay $0x3  }
0xc: {  	_ =	strace s3  }
0xd: {  	s3 =	sld [smem:$0x3FFD];
	_ =	sdelay $0x3  }
0xe: {  	_ =	strace s3  }
0xf: {  	_ =	strace $0x8FFFFFFF  }
0x10: {  	s20 =	sld [smem:$0x3FDB];
	_ =	sdelay $0x1  }
0x11: {  	s4 =	simm.s32 $_scs_section_size  }
0x12: {  	s5 =	simm.s32 $_size__tile_overlayer_lowered;
	s6 =	simm.s32 $_tile_overlayer_lowered  }
0x13: {  	s23 =	simm.s32 $0x1BFF;
	s22 =	sshll.u32 s6, $0x1;
	s3 =	sadd.s32 s4, s20  }
0x14: {  	s7 =	simm.s32 $0x0;
	s21 =	sshll.u32 s5, $0x1;
	s5 =	sadd.s32 s22, s3  }
0x15: {  	[timem:s7], [sflag:s23] =	dma.local [hbm:s5], s21  }
0x16: {  	_ =	swait.ge [sflag:s23], s21  }
0x17: {  	s4 =	ssub.s32 $0x0, s21;
	[sflag:s23] =	ssyncset.done $0x0  }
0x18: {  	[sflag:s23] =	ssyncadd.s32 s4;
	_ =	sdelay $0x1  }
0x19: {  	s24 =	simm.s32 $0x1B8B  }
0x1a: {  	_ =	swait.ge [sflag:s24], $0x1  }
0x1b: {  	[sflag:s24] =	ssyncset.done $0x0  }
0x1c: {  	s26 =	simm.s32 $0x1B8E;
	s25 =	sld [smem:$0x3FFE];
	[sflag:s24] =	ssyncadd.s32 $0xFFFFFFFF  }
0x1d: {  	s27 =	simm.s32 $execute0_lowered;
	[smem:$0x3FD2] =	sst s26  }
0x1e: {  	s5 =	sshll.u32 s27, $0x1;
	_ =	strace $0x80000049;
	[dreg:$0x1] =	wrdreg $0xFFFFFFFF  }
0x1f: {  	s28 =	simm.s32 $_size_execute0_lowered;
	s3 =	sadd.s32 s3, s5;
	[dreg:$0x0] =	wrdreg $0x0  }
0x20: {  	s5 =	sshll.u32 s28, $0x1;
	[dreg:$0x2] =	wrdreg s3  }
0x21: {  	[dreg:$0x3] =	wrdreg s5  }
0x22: {  	[dreg:$0x4] =	wrdreg $0xC0  }
0x23: {  	_ =	task [dreg:s7], $0x5FFFF  }
0x24: {  	[dreg:$0x1] =	wrdreg $0xFFFFFFFF  }
0x25: {  	[dreg:$0x0] =	wrdreg $0x60  }
0x26: {  	[dreg:$0x2] =	wrdreg s25  }
0x27: {  	[dreg:$0x3] =	wrdreg s2  }
0x28: {  	[dreg:$0x4] =	wrdreg $0x9  }
0x29: {  	_ =	task.clear_ibuf [dreg:s7], $0x5FFFF;
	_ =	strace $0x90000049  }
0x2a: {  	s29 =	simm.s32 $0x9;
	_ =	strace $0x8000004B  }
0x2b: {  	_ =	swait.ge [sflag:s29], $0x1  }
0x2c: {  	[sflag:s29] =	ssyncadd.s32 $0xFFFFFFFF  }
0x2d: {  	_ =	strace $0x9000004B  }
0x2e: {  	_ =	sfence  }
0x2f: {  	s30 =	sld [smem:$0x0];
	_ =	sdelay $0x2  }
0x30: {  	s31 =	sshll.u32 s1, $0xD;
	s1 =	sshrl.u32 s1, $0x2  }
0x31: {  	s3 =	sand.u32 $0x4000, s31;
	s1 =	sadd.s32 s1, s30  }
0x32: {  	s0 =	sor.u32 s3, s0;
	s1 =	sshll.u32 s1, $0x11  }
0x33: {  	s0 =	sor.u32 s1, s0  }
0x34: {  	s0 =	sadd.s32 $0x8F2B, s0  }
0x35: {  	[sflag:s0] =	ssyncadd.remote.s32 $0x1  }
0x36: {  	_ =	sfence.sel $0xFFFF  }
0x37: {  	[dreg:$0x0] =	wrdreg $0xFFFFFFFF;
	(pc) =	sbr.abs _section_cstart, $3  }
0x38: {  	[dreg:$0x1] =	wrdreg $0xFFFFFFFF  }
0x39: {  	_ =	task.clear_ibuf [dreg:s7], $0x2FFFF;
	_ =	strace $0x9FFFFFFF  }
0x3a: {  	(tm) =	ssettm $0x7FFFFFFF  }
0x3b: {  	_ =	shalt  }
tec
execute0_lowered:
.L_overlay_start_1:
0x0: {  	(tag) =	ssettag $0x1  }
0x1: {  	s0 =	srdreg.scid  }
0x2: {  	s1 =	sshll.u32 s0, $0x4  }
0x3: {  	s0 =	stileid.u32;
	s1 =	sand.u32 $0x10, s1  }
0x4: {  	s1 =	sor.u32 s0, s1  }
0x5: {  	s6 =	rddreg [dreg:$0x0];
	s4 =	simm.s32 $0x1;
	s2 =	sshll.u32 s1, $0x7  }
0x6: {  	s7 =	simm.s32 $0x2;
	s12 =	simm.s32 $0x0;
	s1 =	ssub.s32 $0x1000, s2  }
0x7: {  	s8 =	simm.s32 $0x8000;
	s13 =	simm.s32 $0x0;
	s3 =	sand.u32 $0xF80, s1  }
0x8: {  	s9 =	simm.s32 $0x0;
	s5 =	sshrl.u32 s1, $0xC;
	p0 =	sne.s32 s3, $0x0  }
.Ltmp0:
0x9: {  	s1 =	rddreg [dreg:$0x2];
	s4 =	simm.s32 @!p0 $0x0;
	(pc) =	sbr.rel .LBB1_1-.Ltmp0, $4  }
0xa: {  	s11 =	simm.s32 $0x0;
	s3 =	rddreg [dreg:$0x1];
	s5 =	sadd.s32 s4, s5  }
0xb: {  	_ =	strace $0x8000004A;
	s4 =	simm.s32 $0x1;
	s5 =	smul.u32 $0xC8, s5  }
0xc: {  	s6 =	sadd.s32 $0xA00, s6;
	s10 =	smov.u32 s2;
	[sflag:s4] =	ssyncpa.u1 $0x0  }
0xd: {  	p0 =	por $0x0, $0x0;
	[sflag:s7] =	ssyncpa.u1 $0x0;
	s7 =	sor.u32 $0x1, s5  }
.LBB1_4:
0xe: {  	s16 =	sshll.u32 s13, $0x3;
	s17 =	sand.u32 $0x78, s13  }
0xf: {  	s30 =	sand.u32 $0x7E00, s13;
	s12 =	sshll.u32 s12, $0xF;
	s16 =	sand.u32 $0xC00, s16  }
0x10: {  	[tilespmem:s15+$0x810 ss:$0x81] =	vst.msk $0xffff, v2;
	s31 =	sand.u32 $0x7, s13;
	s16 =	sor.u32 s17, s16;
	s17 =	sadd.s32 s3, s30  }
0x11: {  	[tilespmem:s15+$0x1020 ss:$0x81] =	vst.msk $0xffff, v0;
	s13 =	sshll.u32 s31, $0x12;
	s12 =	sadd.s32 s12, s17;
	s16 =	sshrl.u32 s16, $0x3  }
0x12: {  	[tilespmem:s15+$0x0 ss:$0x81] =	vst.msk $0xffff, v1;
	s13 =	sor.u32 $0x400, s13;
	s12 =	sadd.s32 s16, s12  }
0x13: {  	[hbm4b:s12+s13] =	stream.strided.scatter [tilespmem:s14], [sflag:$0x2], $0x2000, s8, s13, $0x20;
	[tilespmem:$0x8080] =	vst v63  }
.LBB1_5:
0x14: {  	s14 =	sadd.s32 $0x1, s9  }
0x15: {  	s12 =	sadd.s32 $0x1000, s10;
	s16 =	smov.u32 s10;
	p2 =	sgt.s32 s14, $0xC7  }
0x16: {  	s16 =	smov.u32 @p2 s12  }
0x17: {  	s14 =	simm.s32 @p2 $0x0;
	p2 =	sgt.s32 s16, $0xFFF  }
0x18: {  	s16 =	smov.u32 @p2 s2;
	p2 =	sne.s32 s11, s7  }
.Ltmp1:
0x19: {  	p1 =	slt.u32 s11, $0x2;
	(pc) =	sbr.rel @!p2 .LBB1_6-.Ltmp1, $4  }
0x1a: {  	s15 =	simm.s32 @!p1 $0x2  }
0x1b: {  	s13 =	smov.u32 s10;
	p0 =	por !p0, !p0;
	_ =	swait.ge @!p1 [sflag:s15], $0x2000  }
0x1c: {  	s12 =	smov.u32 s9;
	[sflag:s15] =	ssyncset.done @!p1 $0x0;
	s9 =	smov.u32 s14  }
0x1d: {  	s11 =	sadd.s32 $0x1, s11;
	[sflag:s15] =	ssyncadd.s32 @!p1 $0xFFFFE000;
	s10 =	smov.u32 s16  }
.LBB1_1:
0x1e: {  	p1 =	sge.u32 s11, s5  }
0x1f: {  	s14 =	sand.u32 @!p1 $0x1FFFFFF, s9  }
0x20: {  	s15 =	smulhi.u32 @!p1 $0x147AE15, s14;
	_ =	sdelay $0x1  }
0x21: {  	s15 =	smul.u32 @!p1 $0xC8, s15  }
0x22: {  	s16 =	sxor.u32 @!p1 $0xFFFFFFFF, s11;
	s17 =	smul.u32 @!p1 $0xC80, s10  }
0x23: {  	s31 =	sadd.s32 $0xFFFFFFFF, s11;
	s16 =	sshll.u32 @!p1 s16, $0xD;
	s14 =	ssub.s32 @!p1 s14, s15  }
0x24: {  	s15 =	sand.u32 @!p1 $0x2000, s16;
	s16 =	sadd.s32 @!p1 s6, s17;
	s14 =	sshll.u32 @!p1 s14, $0x4  }
0x25: {  	s17 =	simm.s32 @!p1 $0x6400;
	s14 =	sadd.s32 @!p1 s14, s16;
	s16 =	simm.s32 @!p1 $0x40  }
0x26: {  	[tilespmem:s15], [sflag:$0x1] =	stream.strided.gather @!p1 [hbm4b:s14+s16], $0x2000, s17, s16, $0x38;
	[tilespmem:$0x8080] =	vst v63  }
0x27: {  	p1 =	sge.u32 s31, s5  }
.Ltmp2:
0x28: {  	_ = 	snop;
	(pc) =	sbr.rel @p1 .LBB1_5-.Ltmp2, $1  }
0x29: {  	_ =	sdelay $0x3  }
0x2a: {  	s14 =	simm.s32 $0x1  }
0x2b: {  	_ =	swait.ge [sflag:s4], $0x2000;
	s14 =	simm.s32 @!p0 $0x0  }
0x2c: {  	[sflag:s4] =	ssyncset.done $0x0;
	s15 =	sshll.u32 s14, $0xD  }
0x2d: {  	[sflag:s4] =	ssyncadd.s32 $0xFFFFE000;
	s18 =	sor.u32 $0x20, s15  }
0x2e: {  	s14 =	smul.u32 $0x8100, s14;
	v3 =	vld [tilespmem:s18+$0x10]  }
0x2f: {  	s30 =	sand.u32 $0x1, s11;
	v2 =	vld [tilespmem:s18+$0xFFFFFFF0]  }
0x30: {  	s15 =	smul.u32 $0x8100, s30;
	s14 =	sshrl.u32 s14, $0x2;
	v0 =	vld [tilespmem:s18+$0x0]  }
0x31: {  	v1 =	vld [tilespmem:s18+$0xFFFFFFE0];
	s16 =	sor.u32 $0x4000, s14  }
0x32: {  	s31 =	sshrl.u32 s15, $0x2;
	s15 =	sadd.s32 $0x0, s16  }
0x33: {  	s17 =	simm.s32 $0x4;
	s18 =	sadd.s32 $0x40, s18;
	s14 =	sor.u32 $0x4000, s31;
	[tilespmem:s15+$0x1830 ss:$0x81] =	vst.msk $0xffff, v3  }
.LBB1_3:
0x34: {  	v3 =	vld [tilespmem:s18+$0x10];
	p1 =	sne.s32 s17, $0x1FC;
	[tilespmem:s15+$0x810 ss:$0x81] =	vst.msk $0xffff, v2;
	s19 =	smov.u32 s17;
	s17 =	sadd.s32 $0x4, s17  }
.Ltmp3:
0x35: {  	v2 =	vld [tilespmem:s18+$0xFFFFFFF0];
	[tilespmem:s15+$0x1020 ss:$0x81] =	vst.msk $0xffff, v0;
	(pc) =	sbr.rel @p1 .LBB1_3-.Ltmp3, $4  }
0x36: {  	v0 =	vld [tilespmem:s18+$0x0];
	[tilespmem:s15+$0x0 ss:$0x81] =	vst.msk $0xffff, v1  }
0x37: {  	s15 =	sshra.s32 s19, $0x2;
	v1 =	vld [tilespmem:s18+$0xFFFFFFE0]  }
0x38: {  	s15 =	sadd.s32 s15, s16  }
0x39: {  	s18 =	sadd.s32 $0x40, s18;
	[tilespmem:s15+$0x1830 ss:$0x81] =	vst.msk $0xffff, v3  }
.Ltmp4:
0x3a: {  	_ = 	snop;
	(pc) =	sbr.rel .LBB1_4-.Ltmp4, $1  }
0x3b: {  	_ =	sdelay $0x3  }
.LBB1_6:
0x3c: {  	_ =	sfence.sel $0x180000  }
0x3d: {  	s2 =	simm.s32 $0x1;
	[bflag:$0x0] =	sbarrier.arrive $0xFFFF  }
0x3e: {  	s31 =	simm.s32 $0x2;
	[sflag:s2] =	ssyncpa.u1 $0x1  }
0x3f: {  	[sflag:s31] =	ssyncpa.u1 $0x1  }
0x40: {  	p0 =	sne.s32 s0, $0x0;
	_ =	strace $0x9000004A  }
0x41: {  	s0 =	sadd.s32 @!p0 $0x100000, s1;
	[bflag:$0x2] =	sbarrier.arrive $0xFFFF  }
0x42: {  	[sflag:s0] =	ssyncadd.tile.s32 @!p0 $0x1;
	_ =	shalt  }
.Lfunc_end1:
_tile_overlayer_lowered:
.L_overlay_start_2:
0x43: {  	(tag) =	ssettag $0x2  }
0x44: {  	s0 =	rddreg [dreg:$0x0];
	s2 =	stileid.u32  }
0x45: {  	s1 =	rddreg [dreg:$0x1];
	p0 =	sne.s32 s2, $0x0  }
0x46: {  	s3 =	rddreg [dreg:$0x2];
	[bflag:$0x3] =	sbarrier.arrive $0xFFFF;
	s2 =	simm.s32 @!p0 $0x1C01  }
0x47: {  	[timem:s3], [sflag:s2] =	dma.local @!p0 [hbm:s0], s1  }
0x48: {  	s0 =	simm.s32 @!p0 $0x1  }
0x49: {  	_ =	swait.ge @!p0 [sflag:s0], s1  }
0x4a: {  	s1 =	ssub.s32 @!p0 $0x0, s1;
	[sflag:s0] =	ssyncset.done @!p0 $0x0  }
0x4b: {  	[sflag:s0] =	ssyncadd.s32 @!p0 s1  }
0x4c: {  	[bflag:$0x3] =	sbarrier.arrive $0xFFFF  }
0x4d: {  	_ =	shalt  }

</sc_bundles>
